<compile_context>
chip_gen: v7x
topology: tpu7x:2x2x1
jax: 0.10.2.dev20260603
libtpu: 0.0.44.dev20260713+nightly
codegen_flags: <defaults>
</compile_context>

<pallas_src>
import functools

import jax
import jax.numpy as jnp
from jax import lax
from jax.experimental import pallas as pl
from jax.experimental.pallas import tpu as pltpu
from jax.experimental.pallas import tpu_sc as plsc

_L = 16
_NW = 32
_NTOK = 200
_DIM = 64
_DBLK = _DIM // _L
_TPW = 7
_LANE = 128


def _sc_body(ids_hbm, tabt_hbm, part_hbm, idx_v, bufs, acc_v, sem):
    cid = lax.axis_index("c")
    sid = lax.axis_index("s")
    wid = sid * 2 + cid

    pltpu.sync_copy(ids_hbm, idx_v)
    lane = lax.iota(jnp.int32, _L)
    slot = jnp.minimum(wid * _TPW + lane, jnp.int32(_NTOK - 1))
    mine = plsc.load_gather(idx_v, [slot])
    rs = [mine[i] for i in range(_TPW)]
    copies = []
    for i in range(_TPW):
        c0 = pl.multiple_of((rs[i] >> 7) << 7, _LANE)
        copies.append(pltpu.async_copy(
            tabt_hbm.at[:, pl.ds(c0, _LANE)], bufs.at[i], sem))
    for c in copies:
        c.wait()
    acc = [jnp.zeros((_L,), jnp.float32) for _ in range(_DBLK)]
    for i in range(_TPW):
        q = jnp.zeros((_L,), jnp.int32) + (rs[i] & (_LANE - 1))
        w = jnp.where(wid * _TPW + i < _NTOK, 1.0, 0.0).astype(jnp.float32)
        for d in range(_DBLK):
            v = plsc.load_gather(bufs.at[i], [d * _L + lane, q])
            acc[d] = acc[d] + v * w
    for d in range(_DBLK):
        acc_v[pl.ds(d * _L, _L)] = acc[d]
    pltpu.sync_copy(acc_v, part_hbm.at[wid])


def _tc_finish(part_ref, out_ref):
    s = jnp.sum(part_ref[...], axis=0, keepdims=True)
    t = s * jnp.float32(1.0 / _NTOK)
    norm = jnp.maximum(jnp.sqrt(jnp.sum(t * t)), jnp.float32(1e-12))
    out_ref[...] = t / norm


def _sc_encode(ids, table_t):
    mesh = plsc.VectorSubcoreMesh(core_axis_name="c", subcore_axis_name="s")
    gather = functools.partial(
        pl.kernel,
        mesh=mesh,
        out_type=jax.ShapeDtypeStruct((_NW, _DIM), jnp.float32),
        scratch_types=[
            pltpu.VMEM((_NTOK,), jnp.int32),
            pltpu.VMEM((_TPW, _DIM, _LANE), jnp.float32),
            pltpu.VMEM((_DIM,), jnp.float32),
            pltpu.SemaphoreType.DMA,
        ],
        compiler_params=pltpu.CompilerParams(needs_layout_passes=False),
    )(_sc_body)
    parts = gather(ids, table_t)
    out = pl.pallas_call(
        _tc_finish,
        out_shape=jax.ShapeDtypeStruct((1, _DIM), jnp.float32),
    )(parts)
    return out.reshape((_DIM,))


def kernel(token_ids, table):
    return _sc_encode(token_ids.astype(jnp.int32), table.T)

# --- scband reference (transcript-rebuilt; emitter-appended) ---
"""Pipeline reference for scband-emaencoder-25056839205795 (READ-ONLY COPY).

The authoritative reference and input builder live on the scoring server;
editing this copy changes nothing except your own understanding.
"""

import jax, jax.numpy as jnp
import numpy as np

VOCAB = 1000000
DIM = 64
L_BLOCK = 200

def setup_inputs(seed: int = 0) -> dict:
    key = jax.random.key(seed)
    k_idx, k_tab = jax.random.split(key)
    token_ids = jax.random.randint(k_idx, (L_BLOCK,), 0, VOCAB, dtype=jnp.int64 if jax.config.read('jax_enable_x64') else jnp.int32)
    table = jax.random.normal(k_tab, (VOCAB, DIM), dtype=jnp.float32)
    return {"token_ids": token_ids, "table": table}

def reference(token_ids, table):
    # embeds = embedding(token_ids)
    embeds = jnp.take(table, token_ids, axis=0)      # (L_block, d)
    # mean-pool over tokens
    t = jnp.mean(embeds, axis=0)                      # (d,)
    # L2 normalize (F.normalize with eps=1e-12)
    norm = jnp.maximum(jnp.linalg.norm(t, axis=-1), 1e-12)
    t = t / norm
    return t

if __name__ == "__main__":
    import jax
    _d = setup_inputs()
    print(jax.jit(kernel)(*tuple(_d.values())))

</pallas_src>

<mosaic_0001>
#map = affine_map<(d0, d1) -> (0)>
#map1 = affine_map<(d0, d1) -> (0, 0)>
module attributes {stable_mosaic.version = 14 : i64} {
  func.func @_sc_body(%arg0: i32, %arg1: i32, %arg2: memref<200xi32, #tpu.memory_space<hbm>>, %arg3: memref<64x1000000xf32, #tpu.memory_space<hbm>>, %arg4: memref<32x64xf32, #tpu.memory_space<hbm>>, %arg5: memref<200xi32, #tpu.memory_space<vmem>>, %arg6: memref<7x64x128xf32, #tpu.memory_space<vmem>>, %arg7: memref<64xf32, #tpu.memory_space<vmem>>, %arg8: memref<!tpu.dma_semaphore, #tpu.memory_space<semaphore_mem>>) attributes {dimension_semantics = [#tpu.dimension_semantics<core_parallel>, #tpu.dimension_semantics<subcore_parallel>], iteration_bounds = array<i64: 2, 16>, scalar_prefetch = 0 : i64, scratch_operands = 4 : i64, tpu.core_type = #tpu.core_type<sc_vector_subcore>, window_params = [{transform_indices = #map}, {transform_indices = #map1}, {transform_indices = #map1}]} {
    %mul3A = arith.constant 2 : i32
    %mul3A_0 = arith.muli %arg1, %mul3A : i32
    %add3A = arith.addi %mul3A_0, %arg0 : i32
    "tpu.region"() ({
      %run_scoped3A = tpu.sem_alloc : memref<!tpu.dma_semaphore, #tpu.memory_space<semaphore_mem>>
      tpu.enqueue_dma source(%arg2 : memref<200xi32, #tpu.memory_space<hbm>>) target(%arg5 : memref<200xi32, #tpu.memory_space<vmem>>) target_semaphore(%run_scoped3A : memref<!tpu.dma_semaphore, #tpu.memory_space<semaphore_mem>>)
      tpu.wait_dma2 semaphore(%run_scoped3A : memref<!tpu.dma_semaphore, #tpu.memory_space<semaphore_mem>>) src(%arg2 : memref<200xi32, #tpu.memory_space<hbm>>) dst(%arg5 : memref<200xi32, #tpu.memory_space<vmem>>)
      tpu.yield
    }) : () -> ()
    %iota3A = tpu.iota {dimensions = array<i32: 0>} : vector<16xi32>
    %mul3A_1 = arith.constant 7 : i32
    %mul3A_2 = arith.muli %add3A, %mul3A_1 : i32
    %add3A_3 = vector.broadcast %mul3A_2 : i32 to vector<16xi32>
    %add3A_4 = arith.addi %add3A_3, %iota3A : vector<16xi32>
    %min3A = arith.constant 199 : i32
    %min3A_5 = vector.broadcast %min3A : i32 to vector<16xi32>
    %min3A_6 = arith.minsi %add3A_4, %min3A_5 : vector<16xi32>
    %gather3A = tpu.vector_load_idx %arg5[%min3A_6] : memref<200xi32, #tpu.memory_space<vmem>>[vector<16xi32>], vector<16xi32>,
    %slice3A = vector.extract_strided_slice %gather3A {offsets = [0], sizes = [1], strides = [1]} : vector<16xi32> to vector<1xi32>
    %squeeze3A = vector.extract %slice3A[0] : i32 from vector<1xi32>
    %slice3A_7 = vector.extract_strided_slice %gather3A {offsets = [1], sizes = [1], strides = [1]} : vector<16xi32> to vector<1xi32>
    %squeeze3A_8 = vector.extract %slice3A_7[0] : i32 from vector<1xi32>
    %slice3A_9 = vector.extract_strided_slice %gather3A {offsets = [2], sizes = [1], strides = [1]} : vector<16xi32> to vector<1xi32>
    %squeeze3A_10 = vector.extract %slice3A_9[0] : i32 from vector<1xi32>
    %slice3A_11 = vector.extract_strided_slice %gather3A {offsets = [3], sizes = [1], strides = [1]} : vector<16xi32> to vector<1xi32>
    %squeeze3A_12 = vector.extract %slice3A_11[0] : i32 from vector<1xi32>
    %slice3A_13 = vector.extract_strided_slice %gather3A {offsets = [4], sizes = [1], strides = [1]} : vector<16xi32> to vector<1xi32>
    %squeeze3A_14 = vector.extract %slice3A_13[0] : i32 from vector<1xi32>
    %slice3A_15 = vector.extract_strided_slice %gather3A {offsets = [5], sizes = [1], strides = [1]} : vector<16xi32> to vector<1xi32>
    %squeeze3A_16 = vector.extract %slice3A_15[0] : i32 from vector<1xi32>
    %slice3A_17 = vector.extract_strided_slice %gather3A {offsets = [6], sizes = [1], strides = [1]} : vector<16xi32> to vector<1xi32>
    %squeeze3A_18 = vector.extract %slice3A_17[0] : i32 from vector<1xi32>
    %shift_right_arithmetic3A = arith.constant 7 : i32
    %shift_right_arithmetic3A_19 = arith.shrsi %squeeze3A, %shift_right_arithmetic3A : i32
    %shift_left3A = arith.constant 7 : i32
    %shift_left3A_20 = arith.shli %shift_right_arithmetic3A_19, %shift_left3A : i32
    %multiple_of3A = tpu.assume_multiple %shift_left3A_20, 128 : i32
    %dma_start3A = arith.constant 0 : i32
    %dma_start3A_21 = arith.constant 0 : i32
    %dma_start3A_22 = arith.constant 0 : i32
    %dma_start3A_23 = tpu.memref_slice %arg6[%dma_start3A, %dma_start3A_21, %dma_start3A_22] : memref<7x64x128xf32, #tpu.memory_space<vmem>> -> memref<1x64x128xf32, #tpu.memory_space<vmem>>
    %dma_start3A_24 = tpu.memref_squeeze %dma_start3A_23 : memref<1x64x128xf32, #tpu.memory_space<vmem>> -> memref<64x128xf32, #tpu.memory_space<vmem>>
    %dma_start3A_25 = arith.constant 0 : i32
    %dma_start3A_26 = tpu.memref_slice %arg3[%dma_start3A_25, %multiple_of3A] : memref<64x1000000xf32, #tpu.memory_space<hbm>> -> memref<64x128xf32, #tpu.memory_space<hbm>>
    %dma_start3A_27 = arith.constant 0 : i32
    %dma_start3A_28 = arith.constant 0 : i32
    %dma_start3A_29 = tpu.memref_slice %arg6[%dma_start3A, %dma_start3A_27, %dma_start3A_28] : memref<7x64x128xf32, #tpu.memory_space<vmem>> -> memref<1x64x128xf32, #tpu.memory_space<vmem>>
    %dma_start3A_30 = tpu.memref_squeeze %dma_start3A_29 : memref<1x64x128xf32, #tpu.memory_space<vmem>> -> memref<64x128xf32, #tpu.memory_space<vmem>>
    %dma_start3A_31 = arith.constant 0 : i32
    %dma_start3A_32 = tpu.memref_slice %arg3[%dma_start3A_31, %multiple_of3A] : memref<64x1000000xf32, #tpu.memory_space<hbm>> -> memref<64x128xf32, #tpu.memory_space<hbm>>
    tpu.enqueue_dma source(%dma_start3A_32 : memref<64x128xf32, #tpu.memory_space<hbm>>) target(%dma_start3A_30 : memref<64x128xf32, #tpu.memory_space<vmem>>) target_semaphore(%arg8 : memref<!tpu.dma_semaphore, #tpu.memory_space<semaphore_mem>>)
    %shift_right_arithmetic3A_33 = arith.constant 7 : i32
    %shift_right_arithmetic3A_34 = arith.shrsi %squeeze3A_8, %shift_right_arithmetic3A_33 : i32
    %shift_left3A_35 = arith.constant 7 : i32
    %shift_left3A_36 = arith.shli %shift_right_arithmetic3A_34, %shift_left3A_35 : i32
    %multiple_of3A_37 = tpu.assume_multiple %shift_left3A_36, 128 : i32
    %dma_start3A_38 = arith.constant 1 : i32
    %dma_start3A_39 = arith.constant 0 : i32
    %dma_start3A_40 = arith.constant 0 : i32
    %dma_start3A_41 = tpu.memref_slice %arg6[%dma_start3A_38, %dma_start3A_39, %dma_start3A_40] : memref<7x64x128xf32, #tpu.memory_space<vmem>> -> memref<1x64x128xf32, #tpu.memory_space<vmem>>
    %dma_start3A_42 = tpu.memref_squeeze %dma_start3A_41 : memref<1x64x128xf32, #tpu.memory_space<vmem>> -> memref<64x128xf32, #tpu.memory_space<vmem>>
    %dma_start3A_43 = arith.constant 0 : i32
    %dma_start3A_44 = tpu.memref_slice %arg3[%dma_start3A_43, %multiple_of3A_37] : memref<64x1000000xf32, #tpu.memory_space<hbm>> -> memref<64x128xf32, #tpu.memory_space<hbm>>
    %dma_start3A_45 = arith.constant 0 : i32
    %dma_start3A_46 = arith.constant 0 : i32
    %dma_start3A_47 = tpu.memref_slice %arg6[%dma_start3A_38, %dma_start3A_45, %dma_start3A_46] : memref<7x64x128xf32, #tpu.memory_space<vmem>> -> memref<1x64x128xf32, #tpu.memory_space<vmem>>
    %dma_start3A_48 = tpu.memref_squeeze %dma_start3A_47 : memref<1x64x128xf32, #tpu.memory_space<vmem>> -> memref<64x128xf32, #tpu.memory_space<vmem>>
    %dma_start3A_49 = arith.constant 0 : i32
    %dma_start3A_50 = tpu.memref_slice %arg3[%dma_start3A_49, %multiple_of3A_37] : memref<64x1000000xf32, #tpu.memory_space<hbm>> -> memref<64x128xf32, #tpu.memory_space<hbm>>
    tpu.enqueue_dma source(%dma_start3A_50 : memref<64x128xf32, #tpu.memory_space<hbm>>) target(%dma_start3A_48 : memref<64x128xf32, #tpu.memory_space<vmem>>) target_semaphore(%arg8 : memref<!tpu.dma_semaphore, #tpu.memory_space<semaphore_mem>>)
    %shift_right_arithmetic3A_51 = arith.constant 7 : i32
    %shift_right_arithmetic3A_52 = arith.shrsi %squeeze3A_10, %shift_right_arithmetic3A_51 : i32
    %shift_left3A_53 = arith.constant 7 : i32
    %shift_left3A_54 = arith.shli %shift_right_arithmetic3A_52, %shift_left3A_53 : i32
    %multiple_of3A_55 = tpu.assume_multiple %shift_left3A_54, 128 : i32
    %dma_start3A_56 = arith.constant 2 : i32
    %dma_start3A_57 = arith.constant 0 : i32
    %dma_start3A_58 = arith.constant 0 : i32
    %dma_start3A_59 = tpu.memref_slice %arg6[%dma_start3A_56, %dma_start3A_57, %dma_start3A_58] : memref<7x64x128xf32, #tpu.memory_space<vmem>> -> memref<1x64x128xf32, #tpu.memory_space<vmem>>
    %dma_start3A_60 = tpu.memref_squeeze %dma_start3A_59 : memref<1x64x128xf32, #tpu.memory_space<vmem>> -> memref<64x128xf32, #tpu.memory_space<vmem>>
    %dma_start3A_61 = arith.constant 0 : i32
    %dma_start3A_62 = tpu.memref_slice %arg3[%dma_start3A_61, %multiple_of3A_55] : memref<64x1000000xf32, #tpu.memory_space<hbm>> -> memref<64x128xf32, #tpu.memory_space<hbm>>
    %dma_start3A_63 = arith.constant 0 : i32
    %dma_start3A_64 = arith.constant 0 : i32
    %dma_start3A_65 = tpu.memref_slice %arg6[%dma_start3A_56, %dma_start3A_63, %dma_start3A_64] : memref<7x64x128xf32, #tpu.memory_space<vmem>> -> memref<1x64x128xf32, #tpu.memory_space<vmem>>
    %dma_start3A_66 = tpu.memref_squeeze %dma_start3A_65 : memref<1x64x128xf32, #tpu.memory_space<vmem>> -> memref<64x128xf32, #tpu.memory_space<vmem>>
    %dma_start3A_67 = arith.constant 0 : i32
    %dma_start3A_68 = tpu.memref_slice %arg3[%dma_start3A_67, %multiple_of3A_55] : memref<64x1000000xf32, #tpu.memory_space<hbm>> -> memref<64x128xf32, #tpu.memory_space<hbm>>
    tpu.enqueue_dma source(%dma_start3A_68 : memref<64x128xf32, #tpu.memory_space<hbm>>) target(%dma_start3A_66 : memref<64x128xf32, #tpu.memory_space<vmem>>) target_semaphore(%arg8 : memref<!tpu.dma_semaphore, #tpu.memory_space<semaphore_mem>>)
    %shift_right_arithmetic3A_69 = arith.constant 7 : i32
    %shift_right_arithmetic3A_70 = arith.shrsi %squeeze3A_12, %shift_right_arithmetic3A_69 : i32
    %shift_left3A_71 = arith.constant 7 : i32
    %shift_left3A_72 = arith.shli %shift_right_arithmetic3A_70, %shift_left3A_71 : i32
    %multiple_of3A_73 = tpu.assume_multiple %shift_left3A_72, 128 : i32
    %dma_start3A_74 = arith.constant 3 : i32
    %dma_start3A_75 = arith.constant 0 : i32
    %dma_start3A_76 = arith.constant 0 : i32
    %dma_start3A_77 = tpu.memref_slice %arg6[%dma_start3A_74, %dma_start3A_75, %dma_start3A_76] : memref<7x64x128xf32, #tpu.memory_space<vmem>> -> memref<1x64x128xf32, #tpu.memory_space<vmem>>
    %dma_start3A_78 = tpu.memref_squeeze %dma_start3A_77 : memref<1x64x128xf32, #tpu.memory_space<vmem>> -> memref<64x128xf32, #tpu.memory_space<vmem>>
    %dma_start3A_79 = arith.constant 0 : i32
    %dma_start3A_80 = tpu.memref_slice %arg3[%dma_start3A_79, %multiple_of3A_73] : memref<64x1000000xf32, #tpu.memory_space<hbm>> -> memref<64x128xf32, #tpu.memory_space<hbm>>
    %dma_start3A_81 = arith.constant 0 : i32
    %dma_start3A_82 = arith.constant 0 : i32
    %dma_start3A_83 = tpu.memref_slice %arg6[%dma_start3A_74, %dma_start3A_81, %dma_start3A_82] : memref<7x64x128xf32, #tpu.memory_space<vmem>> -> memref<1x64x128xf32, #tpu.memory_space<vmem>>
    %dma_start3A_84 = tpu.memref_squeeze %dma_start3A_83 : memref<1x64x128xf32, #tpu.memory_space<vmem>> -> memref<64x128xf32, #tpu.memory_space<vmem>>
    %dma_start3A_85 = arith.constant 0 : i32
    %dma_start3A_86 = tpu.memref_slice %arg3[%dma_start3A_85, %multiple_of3A_73] : memref<64x1000000xf32, #tpu.memory_space<hbm>> -> memref<64x128xf32, #tpu.memory_space<hbm>>
    tpu.enqueue_dma source(%dma_start3A_86 : memref<64x128xf32, #tpu.memory_space<hbm>>) target(%dma_start3A_84 : memref<64x128xf32, #tpu.memory_space<vmem>>) target_semaphore(%arg8 : memref<!tpu.dma_semaphore, #tpu.memory_space<semaphore_mem>>)
    %shift_right_arithmetic3A_87 = arith.constant 7 : i32
    %shift_right_arithmetic3A_88 = arith.shrsi %squeeze3A_14, %shift_right_arithmetic3A_87 : i32
    %shift_left3A_89 = arith.constant 7 : i32
    %shift_left3A_90 = arith.shli %shift_right_arithmetic3A_88, %shift_left3A_89 : i32
    %multiple_of3A_91 = tpu.assume_multiple %shift_left3A_90, 128 : i32
    %dma_start3A_92 = arith.constant 4 : i32
    %dma_start3A_93 = arith.constant 0 : i32
    %dma_start3A_94 = arith.constant 0 : i32
    %dma_start3A_95 = tpu.memref_slice %arg6[%dma_start3A_92, %dma_start3A_93, %dma_start3A_94] : memref<7x64x128xf32, #tpu.memory_space<vmem>> -> memref<1x64x128xf32, #tpu.memory_space<vmem>>
    %dma_start3A_96 = tpu.memref_squeeze %dma_start3A_95 : memref<1x64x128xf32, #tpu.memory_space<vmem>> -> memref<64x128xf32, #tpu.memory_space<vmem>>
    %dma_start3A_97 = arith.constant 0 : i32
    %dma_start3A_98 = tpu.memref_slice %arg3[%dma_start3A_97, %multiple_of3A_91] : memref<64x1000000xf32, #tpu.memory_space<hbm>> -> memref<64x128xf32, #tpu.memory_space<hbm>>
    %dma_start3A_99 = arith.constant 0 : i32
    %dma_start3A_100 = arith.constant 0 : i32
    %dma_start3A_101 = tpu.memref_slice %arg6[%dma_start3A_92, %dma_start3A_99, %dma_start3A_100] : memref<7x64x128xf32, #tpu.memory_space<vmem>> -> memref<1x64x128xf32, #tpu.memory_space<vmem>>
    %dma_start3A_102 = tpu.memref_squeeze %dma_start3A_101 : memref<1x64x128xf32, #tpu.memory_space<vmem>> -> memref<64x128xf32, #tpu.memory_space<vmem>>
    %dma_start3A_103 = arith.constant 0 : i32
    %dma_start3A_104 = tpu.memref_slice %arg3[%dma_start3A_103, %multiple_of3A_91] : memref<64x1000000xf32, #tpu.memory_space<hbm>> -> memref<64x128xf32, #tpu.memory_space<hbm>>
    tpu.enqueue_dma source(%dma_start3A_104 : memref<64x128xf32, #tpu.memory_space<hbm>>) target(%dma_start3A_102 : memref<64x128xf32, #tpu.memory_space<vmem>>) target_semaphore(%arg8 : memref<!tpu.dma_semaphore, #tpu.memory_space<semaphore_mem>>)
    %shift_right_arithmetic3A_105 = arith.constant 7 : i32
    %shift_right_arithmetic3A_106 = arith.shrsi %squeeze3A_16, %shift_right_arithmetic3A_105 : i32
    %shift_left3A_107 = arith.constant 7 : i32
    %shift_left3A_108 = arith.shli %shift_right_arithmetic3A_106, %shift_left3A_107 : i32
    %multiple_of3A_109 = tpu.assume_multiple %shift_left3A_108, 128 : i32
    %dma_start3A_110 = arith.constant 5 : i32
    %dma_start3A_111 = arith.constant 0 : i32
    %dma_start3A_112 = arith.constant 0 : i32
    %dma_start3A_113 = tpu.memref_slice %arg6[%dma_start3A_110, %dma_start3A_111, %dma_start3A_112] : memref<7x64x128xf32, #tpu.memory_space<vmem>> -> memref<1x64x128xf32, #tpu.memory_space<vmem>>
    %dma_start3A_114 = tpu.memref_squeeze %dma_start3A_113 : memref<1x64x128xf32, #tpu.memory_space<vmem>> -> memref<64x128xf32, #tpu.memory_space<vmem>>
    %dma_start3A_115 = arith.constant 0 : i32
    %dma_start3A_116 = tpu.memref_slice %arg3[%dma_start3A_115, %multiple_of3A_109] : memref<64x1000000xf32, #tpu.memory_space<hbm>> -> memref<64x128xf32, #tpu.memory_space<hbm>>
    %dma_start3A_117 = arith.constant 0 : i32
    %dma_start3A_118 = arith.constant 0 : i32
    %dma_start3A_119 = tpu.memref_slice %arg6[%dma_start3A_110, %dma_start3A_117, %dma_start3A_118] : memref<7x64x128xf32, #tpu.memory_space<vmem>> -> memref<1x64x128xf32, #tpu.memory_space<vmem>>
    %dma_start3A_120 = tpu.memref_squeeze %dma_start3A_119 : memref<1x64x128xf32, #tpu.memory_space<vmem>> -> memref<64x128xf32, #tpu.memory_space<vmem>>
    %dma_start3A_121 = arith.constant 0 : i32
    %dma_start3A_122 = tpu.memref_slice %arg3[%dma_start3A_121, %multiple_of3A_109] : memref<64x1000000xf32, #tpu.memory_space<hbm>> -> memref<64x128xf32, #tpu.memory_space<hbm>>
    tpu.enqueue_dma source(%dma_start3A_122 : memref<64x128xf32, #tpu.memory_space<hbm>>) target(%dma_start3A_120 : memref<64x128xf32, #tpu.memory_space<vmem>>) target_semaphore(%arg8 : memref<!tpu.dma_semaphore, #tpu.memory_space<semaphore_mem>>)
    %shift_right_arithmetic3A_123 = arith.constant 7 : i32
    %shift_right_arithmetic3A_124 = arith.shrsi %squeeze3A_18, %shift_right_arithmetic3A_123 : i32
    %shift_left3A_125 = arith.constant 7 : i32
    %shift_left3A_126 = arith.shli %shift_right_arithmetic3A_124, %shift_left3A_125 : i32
    %multiple_of3A_127 = tpu.assume_multiple %shift_left3A_126, 128 : i32
    %dma_start3A_128 = arith.constant 6 : i32
    %dma_start3A_129 = arith.constant 0 : i32
    %dma_start3A_130 = arith.constant 0 : i32
    %dma_start3A_131 = tpu.memref_slice %arg6[%dma_start3A_128, %dma_start3A_129, %dma_start3A_130] : memref<7x64x128xf32, #tpu.memory_space<vmem>> -> memref<1x64x128xf32, #tpu.memory_space<vmem>>
    %dma_start3A_132 = tpu.memref_squeeze %dma_start3A_131 : memref<1x64x128xf32, #tpu.memory_space<vmem>> -> memref<64x128xf32, #tpu.memory_space<vmem>>
    %dma_start3A_133 = arith.constant 0 : i32
    %dma_start3A_134 = tpu.memref_slice %arg3[%dma_start3A_133, %multiple_of3A_127] : memref<64x1000000xf32, #tpu.memory_space<hbm>> -> memref<64x128xf32, #tpu.memory_space<hbm>>
    %dma_start3A_135 = arith.constant 0 : i32
    %dma_start3A_136 = arith.constant 0 : i32
    %dma_start3A_137 = tpu.memref_slice %arg6[%dma_start3A_128, %dma_start3A_135, %dma_start3A_136] : memref<7x64x128xf32, #tpu.memory_space<vmem>> -> memref<1x64x128xf32, #tpu.memory_space<vmem>>
    %dma_start3A_138 = tpu.memref_squeeze %dma_start3A_137 : memref<1x64x128xf32, #tpu.memory_space<vmem>> -> memref<64x128xf32, #tpu.memory_space<vmem>>
    %dma_start3A_139 = arith.constant 0 : i32
    %dma_start3A_140 = tpu.memref_slice %arg3[%dma_start3A_139, %multiple_of3A_127] : memref<64x1000000xf32, #tpu.memory_space<hbm>> -> memref<64x128xf32, #tpu.memory_space<hbm>>
    tpu.enqueue_dma source(%dma_start3A_140 : memref<64x128xf32, #tpu.memory_space<hbm>>) target(%dma_start3A_138 : memref<64x128xf32, #tpu.memory_space<vmem>>) target_semaphore(%arg8 : memref<!tpu.dma_semaphore, #tpu.memory_space<semaphore_mem>>)
    %dma_wait3A = arith.constant 0 : i32
    %dma_wait3A_141 = arith.constant 0 : i32
    %dma_wait3A_142 = arith.constant 0 : i32
    %dma_wait3A_143 = tpu.memref_slice %arg6[%dma_wait3A, %dma_wait3A_141, %dma_wait3A_142] : memref<7x64x128xf32, #tpu.memory_space<vmem>> -> memref<1x64x128xf32, #tpu.memory_space<vmem>>
    %dma_wait3A_144 = tpu.memref_squeeze %dma_wait3A_143 : memref<1x64x128xf32, #tpu.memory_space<vmem>> -> memref<64x128xf32, #tpu.memory_space<vmem>>
    %dma_wait3A_145 = arith.constant 0 : i32
    %dma_wait3A_146 = tpu.memref_slice %arg3[%dma_wait3A_145, %multiple_of3A] : memref<64x1000000xf32, #tpu.memory_space<hbm>> -> memref<64x128xf32, #tpu.memory_space<hbm>>
    %dma_wait3A_147 = arith.constant 0 : i32
    %dma_wait3A_148 = arith.constant 0 : i32
    %dma_wait3A_149 = tpu.memref_slice %arg6[%dma_wait3A, %dma_wait3A_147, %dma_wait3A_148] : memref<7x64x128xf32, #tpu.memory_space<vmem>> -> memref<1x64x128xf32, #tpu.memory_space<vmem>>
    %dma_wait3A_150 = tpu.memref_squeeze %dma_wait3A_149 : memref<1x64x128xf32, #tpu.memory_space<vmem>> -> memref<64x128xf32, #tpu.memory_space<vmem>>
    %dma_wait3A_151 = arith.constant 0 : i32
    %dma_wait3A_152 = tpu.memref_slice %arg3[%dma_wait3A_151, %multiple_of3A] : memref<64x1000000xf32, #tpu.memory_space<hbm>> -> memref<64x128xf32, #tpu.memory_space<hbm>>
    tpu.wait_dma2 semaphore(%arg8 : memref<!tpu.dma_semaphore, #tpu.memory_space<semaphore_mem>>) src(%dma_wait3A_152 : memref<64x128xf32, #tpu.memory_space<hbm>>) dst(%dma_wait3A_150 : memref<64x128xf32, #tpu.memory_space<vmem>>)
    %dma_wait3A_153 = arith.constant 1 : i32
    %dma_wait3A_154 = arith.constant 0 : i32
    %dma_wait3A_155 = arith.constant 0 : i32
    %dma_wait3A_156 = tpu.memref_slice %arg6[%dma_wait3A_153, %dma_wait3A_154, %dma_wait3A_155] : memref<7x64x128xf32, #tpu.memory_space<vmem>> -> memref<1x64x128xf32, #tpu.memory_space<vmem>>
    %dma_wait3A_157 = tpu.memref_squeeze %dma_wait3A_156 : memref<1x64x128xf32, #tpu.memory_space<vmem>> -> memref<64x128xf32, #tpu.memory_space<vmem>>
    %dma_wait3A_158 = arith.constant 0 : i32
    %dma_wait3A_159 = tpu.memref_slice %arg3[%dma_wait3A_158, %multiple_of3A_37] : memref<64x1000000xf32, #tpu.memory_space<hbm>> -> memref<64x128xf32, #tpu.memory_space<hbm>>
    %dma_wait3A_160 = arith.constant 0 : i32
    %dma_wait3A_161 = arith.constant 0 : i32
    %dma_wait3A_162 = tpu.memref_slice %arg6[%dma_wait3A_153, %dma_wait3A_160, %dma_wait3A_161] : memref<7x64x128xf32, #tpu.memory_space<vmem>> -> memref<1x64x128xf32, #tpu.memory_space<vmem>>
    %dma_wait3A_163 = tpu.memref_squeeze %dma_wait3A_162 : memref<1x64x128xf32, #tpu.memory_space<vmem>> -> memref<64x128xf32, #tpu.memory_space<vmem>>
    %dma_wait3A_164 = arith.constant 0 : i32
    %dma_wait3A_165 = tpu.memref_slice %arg3[%dma_wait3A_164, %multiple_of3A_37] : memref<64x1000000xf32, #tpu.memory_space<hbm>> -> memref<64x128xf32, #tpu.memory_space<hbm>>
    tpu.wait_dma2 semaphore(%arg8 : memref<!tpu.dma_semaphore, #tpu.memory_space<semaphore_mem>>) src(%dma_wait3A_165 : memref<64x128xf32, #tpu.memory_space<hbm>>) dst(%dma_wait3A_163 : memref<64x128xf32, #tpu.memory_space<vmem>>)
    %dma_wait3A_166 = arith.constant 2 : i32
    %dma_wait3A_167 = arith.constant 0 : i32
    %dma_wait3A_168 = arith.constant 0 : i32
    %dma_wait3A_169 = tpu.memref_slice %arg6[%dma_wait3A_166, %dma_wait3A_167, %dma_wait3A_168] : memref<7x64x128xf32, #tpu.memory_space<vmem>> -> memref<1x64x128xf32, #tpu.memory_space<vmem>>
    %dma_wait3A_170 = tpu.memref_squeeze %dma_wait3A_169 : memref<1x64x128xf32, #tpu.memory_space<vmem>> -> memref<64x128xf32, #tpu.memory_space<vmem>>
    %dma_wait3A_171 = arith.constant 0 : i32
    %dma_wait3A_172 = tpu.memref_slice %arg3[%dma_wait3A_171, %multiple_of3A_55] : memref<64x1000000xf32, #tpu.memory_space<hbm>> -> memref<64x128xf32, #tpu.memory_space<hbm>>
    %dma_wait3A_173 = arith.constant 0 : i32
    %dma_wait3A_174 = arith.constant 0 : i32
    %dma_wait3A_175 = tpu.memref_slice %arg6[%dma_wait3A_166, %dma_wait3A_173, %dma_wait3A_174] : memref<7x64x128xf32, #tpu.memory_space<vmem>> -> memref<1x64x128xf32, #tpu.memory_space<vmem>>
    %dma_wait3A_176 = tpu.memref_squeeze %dma_wait3A_175 : memref<1x64x128xf32, #tpu.memory_space<vmem>> -> memref<64x128xf32, #tpu.memory_space<vmem>>
    %dma_wait3A_177 = arith.constant 0 : i32
    %dma_wait3A_178 = tpu.memref_slice %arg3[%dma_wait3A_177, %multiple_of3A_55] : memref<64x1000000xf32, #tpu.memory_space<hbm>> -> memref<64x128xf32, #tpu.memory_space<hbm>>
    tpu.wait_dma2 semaphore(%arg8 : memref<!tpu.dma_semaphore, #tpu.memory_space<semaphore_mem>>) src(%dma_wait3A_178 : memref<64x128xf32, #tpu.memory_space<hbm>>) dst(%dma_wait3A_176 : memref<64x128xf32, #tpu.memory_space<vmem>>)
    %dma_wait3A_179 = arith.constant 3 : i32
    %dma_wait3A_180 = arith.constant 0 : i32
    %dma_wait3A_181 = arith.constant 0 : i32
    %dma_wait3A_182 = tpu.memref_slice %arg6[%dma_wait3A_179, %dma_wait3A_180, %dma_wait3A_181] : memref<7x64x128xf32, #tpu.memory_space<vmem>> -> memref<1x64x128xf32, #tpu.memory_space<vmem>>
    %dma_wait3A_183 = tpu.memref_squeeze %dma_wait3A_182 : memref<1x64x128xf32, #tpu.memory_space<vmem>> -> memref<64x128xf32, #tpu.memory_space<vmem>>
    %dma_wait3A_184 = arith.constant 0 : i32
    %dma_wait3A_185 = tpu.memref_slice %arg3[%dma_wait3A_184, %multiple_of3A_73] : memref<64x1000000xf32, #tpu.memory_space<hbm>> -> memref<64x128xf32, #tpu.memory_space<hbm>>
    %dma_wait3A_186 = arith.constant 0 : i32
    %dma_wait3A_187 = arith.constant 0 : i32
    %dma_wait3A_188 = tpu.memref_slice %arg6[%dma_wait3A_179, %dma_wait3A_186, %dma_wait3A_187] : memref<7x64x128xf32, #tpu.memory_space<vmem>> -> memref<1x64x128xf32, #tpu.memory_space<vmem>>
    %dma_wait3A_189 = tpu.memref_squeeze %dma_wait3A_188 : memref<1x64x128xf32, #tpu.memory_space<vmem>> -> memref<64x128xf32, #tpu.memory_space<vmem>>
    %dma_wait3A_190 = arith.constant 0 : i32
    %dma_wait3A_191 = tpu.memref_slice %arg3[%dma_wait3A_190, %multiple_of3A_73] : memref<64x1000000xf32, #tpu.memory_space<hbm>> -> memref<64x128xf32, #tpu.memory_space<hbm>>
    tpu.wait_dma2 semaphore(%arg8 : memref<!tpu.dma_semaphore, #tpu.memory_space<semaphore_mem>>) src(%dma_wait3A_191 : memref<64x128xf32, #tpu.memory_space<hbm>>) dst(%dma_wait3A_189 : memref<64x128xf32, #tpu.memory_space<vmem>>)
    %dma_wait3A_192 = arith.constant 4 : i32
    %dma_wait3A_193 = arith.constant 0 : i32
    %dma_wait3A_194 = arith.constant 0 : i32
    %dma_wait3A_195 = tpu.memref_slice %arg6[%dma_wait3A_192, %dma_wait3A_193, %dma_wait3A_194] : memref<7x64x128xf32, #tpu.memory_space<vmem>> -> memref<1x64x128xf32, #tpu.memory_space<vmem>>
    %dma_wait3A_196 = tpu.memref_squeeze %dma_wait3A_195 : memref<1x64x128xf32, #tpu.memory_space<vmem>> -> memref<64x128xf32, #tpu.memory_space<vmem>>
    %dma_wait3A_197 = arith.constant 0 : i32
    %dma_wait3A_198 = tpu.memref_slice %arg3[%dma_wait3A_197, %multiple_of3A_91] : memref<64x1000000xf32, #tpu.memory_space<hbm>> -> memref<64x128xf32, #tpu.memory_space<hbm>>
    %dma_wait3A_199 = arith.constant 0 : i32
    %dma_wait3A_200 = arith.constant 0 : i32
    %dma_wait3A_201 = tpu.memref_slice %arg6[%dma_wait3A_192, %dma_wait3A_199, %dma_wait3A_200] : memref<7x64x128xf32, #tpu.memory_space<vmem>> -> memref<1x64x128xf32, #tpu.memory_space<vmem>>
    %dma_wait3A_202 = tpu.memref_squeeze %dma_wait3A_201 : memref<1x64x128xf32, #tpu.memory_space<vmem>> -> memref<64x128xf32, #tpu.memory_space<vmem>>
    %dma_wait3A_203 = arith.constant 0 : i32
    %dma_wait3A_204 = tpu.memref_slice %arg3[%dma_wait3A_203, %multiple_of3A_91] : memref<64x1000000xf32, #tpu.memory_space<hbm>> -> memref<64x128xf32, #tpu.memory_space<hbm>>
    tpu.wait_dma2 semaphore(%arg8 : memref<!tpu.dma_semaphore, #tpu.memory_space<semaphore_mem>>) src(%dma_wait3A_204 : memref<64x128xf32, #tpu.memory_space<hbm>>) dst(%dma_wait3A_202 : memref<64x128xf32, #tpu.memory_space<vmem>>)
    %dma_wait3A_205 = arith.constant 5 : i32
    %dma_wait3A_206 = arith.constant 0 : i32
    %dma_wait3A_207 = arith.constant 0 : i32
    %dma_wait3A_208 = tpu.memref_slice %arg6[%dma_wait3A_205, %dma_wait3A_206, %dma_wait3A_207] : memref<7x64x128xf32, #tpu.memory_space<vmem>> -> memref<1x64x128xf32, #tpu.memory_space<vmem>>
    %dma_wait3A_209 = tpu.memref_squeeze %dma_wait3A_208 : memref<1x64x128xf32, #tpu.memory_space<vmem>> -> memref<64x128xf32, #tpu.memory_space<vmem>>
    %dma_wait3A_210 = arith.constant 0 : i32
    %dma_wait3A_211 = tpu.memref_slice %arg3[%dma_wait3A_210, %multiple_of3A_109] : memref<64x1000000xf32, #tpu.memory_space<hbm>> -> memref<64x128xf32, #tpu.memory_space<hbm>>
    %dma_wait3A_212 = arith.constant 0 : i32
    %dma_wait3A_213 = arith.constant 0 : i32
    %dma_wait3A_214 = tpu.memref_slice %arg6[%dma_wait3A_205, %dma_wait3A_212, %dma_wait3A_213] : memref<7x64x128xf32, #tpu.memory_space<vmem>> -> memref<1x64x128xf32, #tpu.memory_space<vmem>>
    %dma_wait3A_215 = tpu.memref_squeeze %dma_wait3A_214 : memref<1x64x128xf32, #tpu.memory_space<vmem>> -> memref<64x128xf32, #tpu.memory_space<vmem>>
    %dma_wait3A_216 = arith.constant 0 : i32
    %dma_wait3A_217 = tpu.memref_slice %arg3[%dma_wait3A_216, %multiple_of3A_109] : memref<64x1000000xf32, #tpu.memory_space<hbm>> -> memref<64x128xf32, #tpu.memory_space<hbm>>
    tpu.wait_dma2 semaphore(%arg8 : memref<!tpu.dma_semaphore, #tpu.memory_space<semaphore_mem>>) src(%dma_wait3A_217 : memref<64x128xf32, #tpu.memory_space<hbm>>) dst(%dma_wait3A_215 : memref<64x128xf32, #tpu.memory_space<vmem>>)
    %dma_wait3A_218 = arith.constant 6 : i32
    %dma_wait3A_219 = arith.constant 0 : i32
    %dma_wait3A_220 = arith.constant 0 : i32
    %dma_wait3A_221 = tpu.memref_slice %arg6[%dma_wait3A_218, %dma_wait3A_219, %dma_wait3A_220] : memref<7x64x128xf32, #tpu.memory_space<vmem>> -> memref<1x64x128xf32, #tpu.memory_space<vmem>>
    %dma_wait3A_222 = tpu.memref_squeeze %dma_wait3A_221 : memref<1x64x128xf32, #tpu.memory_space<vmem>> -> memref<64x128xf32, #tpu.memory_space<vmem>>
    %dma_wait3A_223 = arith.constant 0 : i32
    %dma_wait3A_224 = tpu.memref_slice %arg3[%dma_wait3A_223, %multiple_of3A_127] : memref<64x1000000xf32, #tpu.memory_space<hbm>> -> memref<64x128xf32, #tpu.memory_space<hbm>>
    %dma_wait3A_225 = arith.constant 0 : i32
    %dma_wait3A_226 = arith.constant 0 : i32
    %dma_wait3A_227 = tpu.memref_slice %arg6[%dma_wait3A_218, %dma_wait3A_225, %dma_wait3A_226] : memref<7x64x128xf32, #tpu.memory_space<vmem>> -> memref<1x64x128xf32, #tpu.memory_space<vmem>>
    %dma_wait3A_228 = tpu.memref_squeeze %dma_wait3A_227 : memref<1x64x128xf32, #tpu.memory_space<vmem>> -> memref<64x128xf32, #tpu.memory_space<vmem>>
    %dma_wait3A_229 = arith.constant 0 : i32
    %dma_wait3A_230 = tpu.memref_slice %arg3[%dma_wait3A_229, %multiple_of3A_127] : memref<64x1000000xf32, #tpu.memory_space<hbm>> -> memref<64x128xf32, #tpu.memory_space<hbm>>
    tpu.wait_dma2 semaphore(%arg8 : memref<!tpu.dma_semaphore, #tpu.memory_space<semaphore_mem>>) src(%dma_wait3A_230 : memref<64x128xf32, #tpu.memory_space<hbm>>) dst(%dma_wait3A_228 : memref<64x128xf32, #tpu.memory_space<vmem>>)
    %broadcast_in_dim3A = arith.constant 0.000000e+00 : f32
    %broadcast_in_dim3A_231 = vector.broadcast %broadcast_in_dim3A : f32 to vector<16xf32>
    %broadcast_in_dim3A_232 = arith.constant 0.000000e+00 : f32
    %broadcast_in_dim3A_233 = vector.broadcast %broadcast_in_dim3A_232 : f32 to vector<16xf32>
    %broadcast_in_dim3A_234 = arith.constant 0.000000e+00 : f32
    %broadcast_in_dim3A_235 = vector.broadcast %broadcast_in_dim3A_234 : f32 to vector<16xf32>
    %broadcast_in_dim3A_236 = arith.constant 0.000000e+00 : f32
    %broadcast_in_dim3A_237 = vector.broadcast %broadcast_in_dim3A_236 : f32 to vector<16xf32>
    %broadcast_in_dim3A_238 = arith.constant 0 : i32
    %broadcast_in_dim3A_239 = vector.broadcast %broadcast_in_dim3A_238 : i32 to vector<16xi32>
    %and3A = arith.constant 127 : i32
    %and3A_240 = arith.andi %squeeze3A, %and3A : i32
    %add3A_241 = vector.broadcast %and3A_240 : i32 to vector<16xi32>
    %add3A_242 = arith.addi %broadcast_in_dim3A_239, %add3A_241 : vector<16xi32>
    %mul3A_243 = arith.constant 7 : i32
    %mul3A_244 = arith.muli %add3A, %mul3A_243 : i32
    %add3A_245 = arith.constant 0 : i32
    %add3A_246 = arith.addi %mul3A_244, %add3A_245 : i32
    %lt3A = arith.constant 200 : i32
    %lt3A_247 = arith.cmpi slt, %add3A_246, %lt3A : i32
    %jit3A = arith.constant 1.000000e+00 : f32
    %jit3A_248 = arith.constant 0.000000e+00 : f32
    %select_n3A = arith.select %lt3A_247, %jit3A, %jit3A_248 : f32
    %add3A_249 = arith.constant 0 : i32
    %add3A_250 = vector.broadcast %add3A_249 : i32 to vector<16xi32>
    %add3A_251 = arith.addi %add3A_250, %iota3A : vector<16xi32>
    %gather3A_252 = arith.constant 0 : i32
    %gather3A_253 = arith.constant 0 : i32
    %gather3A_254 = arith.constant 0 : i32
    %gather3A_255 = tpu.memref_slice %arg6[%gather3A_252, %gather3A_253, %gather3A_254] : memref<7x64x128xf32, #tpu.memory_space<vmem>> -> memref<1x64x128xf32, #tpu.memory_space<vmem>>
    %gather3A_256 = tpu.memref_squeeze %gather3A_255 : memref<1x64x128xf32, #tpu.memory_space<vmem>> -> memref<64x128xf32, #tpu.memory_space<vmem>>
    %gather3A_257 = tpu.vector_load_idx %gather3A_256[%add3A_251, %add3A_242] : memref<64x128xf32, #tpu.memory_space<vmem>>[vector<16xi32>, vector<16xi32>], vector<16xf32>,
    %mul3A_258 = vector.broadcast %select_n3A : f32 to vector<16xf32>
    %mul3A_259 = arith.mulf %gather3A_257, %mul3A_258 : vector<16xf32>
    %add3A_260 = arith.addf %broadcast_in_dim3A_231, %mul3A_259 : vector<16xf32>
    %add3A_261 = arith.constant 16 : i32
    %add3A_262 = vector.broadcast %add3A_261 : i32 to vector<16xi32>
    %add3A_263 = arith.addi %add3A_262, %iota3A : vector<16xi32>
    %gather3A_264 = arith.constant 0 : i32
    %gather3A_265 = arith.constant 0 : i32
    %gather3A_266 = arith.constant 0 : i32
    %gather3A_267 = tpu.memref_slice %arg6[%gather3A_264, %gather3A_265, %gather3A_266] : memref<7x64x128xf32, #tpu.memory_space<vmem>> -> memref<1x64x128xf32, #tpu.memory_space<vmem>>
    %gather3A_268 = tpu.memref_squeeze %gather3A_267 : memref<1x64x128xf32, #tpu.memory_space<vmem>> -> memref<64x128xf32, #tpu.memory_space<vmem>>
    %gather3A_269 = tpu.vector_load_idx %gather3A_268[%add3A_263, %add3A_242] : memref<64x128xf32, #tpu.memory_space<vmem>>[vector<16xi32>, vector<16xi32>], vector<16xf32>,
    %mul3A_270 = vector.broadcast %select_n3A : f32 to vector<16xf32>
    %mul3A_271 = arith.mulf %gather3A_269, %mul3A_270 : vector<16xf32>
    %add3A_272 = arith.addf %broadcast_in_dim3A_233, %mul3A_271 : vector<16xf32>
    %add3A_273 = arith.constant 32 : i32
    %add3A_274 = vector.broadcast %add3A_273 : i32 to vector<16xi32>
    %add3A_275 = arith.addi %add3A_274, %iota3A : vector<16xi32>
    %gather3A_276 = arith.constant 0 : i32
    %gather3A_277 = arith.constant 0 : i32
    %gather3A_278 = arith.constant 0 : i32
    %gather3A_279 = tpu.memref_slice %arg6[%gather3A_276, %gather3A_277, %gather3A_278] : memref<7x64x128xf32, #tpu.memory_space<vmem>> -> memref<1x64x128xf32, #tpu.memory_space<vmem>>
    %gather3A_280 = tpu.memref_squeeze %gather3A_279 : memref<1x64x128xf32, #tpu.memory_space<vmem>> -> memref<64x128xf32, #tpu.memory_space<vmem>>
    %gather3A_281 = tpu.vector_load_idx %gather3A_280[%add3A_275, %add3A_242] : memref<64x128xf32, #tpu.memory_space<vmem>>[vector<16xi32>, vector<16xi32>], vector<16xf32>,
    %mul3A_282 = vector.broadcast %select_n3A : f32 to vector<16xf32>
    %mul3A_283 = arith.mulf %gather3A_281, %mul3A_282 : vector<16xf32>
    %add3A_284 = arith.addf %broadcast_in_dim3A_235, %mul3A_283 : vector<16xf32>
    %add3A_285 = arith.constant 48 : i32
    %add3A_286 = vector.broadcast %add3A_285 : i32 to vector<16xi32>
    %add3A_287 = arith.addi %add3A_286, %iota3A : vector<16xi32>
    %gather3A_288 = arith.constant 0 : i32
    %gather3A_289 = arith.constant 0 : i32
    %gather3A_290 = arith.constant 0 : i32
    %gather3A_291 = tpu.memref_slice %arg6[%gather3A_288, %gather3A_289, %gather3A_290] : memref<7x64x128xf32, #tpu.memory_space<vmem>> -> memref<1x64x128xf32, #tpu.memory_space<vmem>>
    %gather3A_292 = tpu.memref_squeeze %gather3A_291 : memref<1x64x128xf32, #tpu.memory_space<vmem>> -> memref<64x128xf32, #tpu.memory_space<vmem>>
    %gather3A_293 = tpu.vector_load_idx %gather3A_292[%add3A_287, %add3A_242] : memref<64x128xf32, #tpu.memory_space<vmem>>[vector<16xi32>, vector<16xi32>], vector<16xf32>,
    %mul3A_294 = vector.broadcast %select_n3A : f32 to vector<16xf32>
    %mul3A_295 = arith.mulf %gather3A_293, %mul3A_294 : vector<16xf32>
    %add3A_296 = arith.addf %broadcast_in_dim3A_237, %mul3A_295 : vector<16xf32>
    %broadcast_in_dim3A_297 = arith.constant 0 : i32
    %broadcast_in_dim3A_298 = vector.broadcast %broadcast_in_dim3A_297 : i32 to vector<16xi32>
    %and3A_299 = arith.constant 127 : i32
    %and3A_300 = arith.andi %squeeze3A_8, %and3A_299 : i32
    %add3A_301 = vector.broadcast %and3A_300 : i32 to vector<16xi32>
    %add3A_302 = arith.addi %broadcast_in_dim3A_298, %add3A_301 : vector<16xi32>
    %mul3A_303 = arith.constant 7 : i32
    %mul3A_304 = arith.muli %add3A, %mul3A_303 : i32
    %add3A_305 = arith.constant 1 : i32
    %add3A_306 = arith.addi %mul3A_304, %add3A_305 : i32
    %lt3A_307 = arith.constant 200 : i32
    %lt3A_308 = arith.cmpi slt, %add3A_306, %lt3A_307 : i32
    %jit3A_309 = arith.constant 1.000000e+00 : f32
    %jit3A_310 = arith.constant 0.000000e+00 : f32
    %select_n3A_311 = arith.select %lt3A_308, %jit3A_309, %jit3A_310 : f32
    %add3A_312 = arith.constant 0 : i32
    %add3A_313 = vector.broadcast %add3A_312 : i32 to vector<16xi32>
    %add3A_314 = arith.addi %add3A_313, %iota3A : vector<16xi32>
    %gather3A_315 = arith.constant 1 : i32
    %gather3A_316 = arith.constant 0 : i32
    %gather3A_317 = arith.constant 0 : i32
    %gather3A_318 = tpu.memref_slice %arg6[%gather3A_315, %gather3A_316, %gather3A_317] : memref<7x64x128xf32, #tpu.memory_space<vmem>> -> memref<1x64x128xf32, #tpu.memory_space<vmem>>
    %gather3A_319 = tpu.memref_squeeze %gather3A_318 : memref<1x64x128xf32, #tpu.memory_space<vmem>> -> memref<64x128xf32, #tpu.memory_space<vmem>>
    %gather3A_320 = tpu.vector_load_idx %gather3A_319[%add3A_314, %add3A_302] : memref<64x128xf32, #tpu.memory_space<vmem>>[vector<16xi32>, vector<16xi32>], vector<16xf32>,
    %mul3A_321 = vector.broadcast %select_n3A_311 : f32 to vector<16xf32>
    %mul3A_322 = arith.mulf %gather3A_320, %mul3A_321 : vector<16xf32>
    %add3A_323 = arith.addf %add3A_260, %mul3A_322 : vector<16xf32>
    %add3A_324 = arith.constant 16 : i32
    %add3A_325 = vector.broadcast %add3A_324 : i32 to vector<16xi32>
    %add3A_326 = arith.addi %add3A_325, %iota3A : vector<16xi32>
    %gather3A_327 = arith.constant 1 : i32
    %gather3A_328 = arith.constant 0 : i32
    %gather3A_329 = arith.constant 0 : i32
    %gather3A_330 = tpu.memref_slice %arg6[%gather3A_327, %gather3A_328, %gather3A_329] : memref<7x64x128xf32, #tpu.memory_space<vmem>> -> memref<1x64x128xf32, #tpu.memory_space<vmem>>
    %gather3A_331 = tpu.memref_squeeze %gather3A_330 : memref<1x64x128xf32, #tpu.memory_space<vmem>> -> memref<64x128xf32, #tpu.memory_space<vmem>>
    %gather3A_332 = tpu.vector_load_idx %gather3A_331[%add3A_326, %add3A_302] : memref<64x128xf32, #tpu.memory_space<vmem>>[vector<16xi32>, vector<16xi32>], vector<16xf32>,
    %mul3A_333 = vector.broadcast %select_n3A_311 : f32 to vector<16xf32>
    %mul3A_334 = arith.mulf %gather3A_332, %mul3A_333 : vector<16xf32>
    %add3A_335 = arith.addf %add3A_272, %mul3A_334 : vector<16xf32>
    %add3A_336 = arith.constant 32 : i32
    %add3A_337 = vector.broadcast %add3A_336 : i32 to vector<16xi32>
    %add3A_338 = arith.addi %add3A_337, %iota3A : vector<16xi32>
    %gather3A_339 = arith.constant 1 : i32
    %gather3A_340 = arith.constant 0 : i32
    %gather3A_341 = arith.constant 0 : i32
    %gather3A_342 = tpu.memref_slice %arg6[%gather3A_339, %gather3A_340, %gather3A_341] : memref<7x64x128xf32, #tpu.memory_space<vmem>> -> memref<1x64x128xf32, #tpu.memory_space<vmem>>
    %gather3A_343 = tpu.memref_squeeze %gather3A_342 : memref<1x64x128xf32, #tpu.memory_space<vmem>> -> memref<64x128xf32, #tpu.memory_space<vmem>>
    %gather3A_344 = tpu.vector_load_idx %gather3A_343[%add3A_338, %add3A_302] : memref<64x128xf32, #tpu.memory_space<vmem>>[vector<16xi32>, vector<16xi32>], vector<16xf32>,
    %mul3A_345 = vector.broadcast %select_n3A_311 : f32 to vector<16xf32>
    %mul3A_346 = arith.mulf %gather3A_344, %mul3A_345 : vector<16xf32>
    %add3A_347 = arith.addf %add3A_284, %mul3A_346 : vector<16xf32>
    %add3A_348 = arith.constant 48 : i32
    %add3A_349 = vector.broadcast %add3A_348 : i32 to vector<16xi32>
    %add3A_350 = arith.addi %add3A_349, %iota3A : vector<16xi32>
    %gather3A_351 = arith.constant 1 : i32
    %gather3A_352 = arith.constant 0 : i32
    %gather3A_353 = arith.constant 0 : i32
    %gather3A_354 = tpu.memref_slice %arg6[%gather3A_351, %gather3A_352, %gather3A_353] : memref<7x64x128xf32, #tpu.memory_space<vmem>> -> memref<1x64x128xf32, #tpu.memory_space<vmem>>
    %gather3A_355 = tpu.memref_squeeze %gather3A_354 : memref<1x64x128xf32, #tpu.memory_space<vmem>> -> memref<64x128xf32, #tpu.memory_space<vmem>>
    %gather3A_356 = tpu.vector_load_idx %gather3A_355[%add3A_350, %add3A_302] : memref<64x128xf32, #tpu.memory_space<vmem>>[vector<16xi32>, vector<16xi32>], vector<16xf32>,
    %mul3A_357 = vector.broadcast %select_n3A_311 : f32 to vector<16xf32>
    %mul3A_358 = arith.mulf %gather3A_356, %mul3A_357 : vector<16xf32>
    %add3A_359 = arith.addf %add3A_296, %mul3A_358 : vector<16xf32>
    %broadcast_in_dim3A_360 = arith.constant 0 : i32
    %broadcast_in_dim3A_361 = vector.broadcast %broadcast_in_dim3A_360 : i32 to vector<16xi32>
    %and3A_362 = arith.constant 127 : i32
    %and3A_363 = arith.andi %squeeze3A_10, %and3A_362 : i32
    %add3A_364 = vector.broadcast %and3A_363 : i32 to vector<16xi32>
    %add3A_365 = arith.addi %broadcast_in_dim3A_361, %add3A_364 : vector<16xi32>
    %mul3A_366 = arith.constant 7 : i32
    %mul3A_367 = arith.muli %add3A, %mul3A_366 : i32
    %add3A_368 = arith.constant 2 : i32
    %add3A_369 = arith.addi %mul3A_367, %add3A_368 : i32
    %lt3A_370 = arith.constant 200 : i32
    %lt3A_371 = arith.cmpi slt, %add3A_369, %lt3A_370 : i32
    %jit3A_372 = arith.constant 1.000000e+00 : f32
    %jit3A_373 = arith.constant 0.000000e+00 : f32
    %select_n3A_374 = arith.select %lt3A_371, %jit3A_372, %jit3A_373 : f32
    %add3A_375 = arith.constant 0 : i32
    %add3A_376 = vector.broadcast %add3A_375 : i32 to vector<16xi32>
    %add3A_377 = arith.addi %add3A_376, %iota3A : vector<16xi32>
    %gather3A_378 = arith.constant 2 : i32
    %gather3A_379 = arith.constant 0 : i32
    %gather3A_380 = arith.constant 0 : i32
    %gather3A_381 = tpu.memref_slice %arg6[%gather3A_378, %gather3A_379, %gather3A_380] : memref<7x64x128xf32, #tpu.memory_space<vmem>> -> memref<1x64x128xf32, #tpu.memory_space<vmem>>
    %gather3A_382 = tpu.memref_squeeze %gather3A_381 : memref<1x64x128xf32, #tpu.memory_space<vmem>> -> memref<64x128xf32, #tpu.memory_space<vmem>>
    %gather3A_383 = tpu.vector_load_idx %gather3A_382[%add3A_377, %add3A_365] : memref<64x128xf32, #tpu.memory_space<vmem>>[vector<16xi32>, vector<16xi32>], vector<16xf32>,
    %mul3A_384 = vector.broadcast %select_n3A_374 : f32 to vector<16xf32>
    %mul3A_385 = arith.mulf %gather3A_383, %mul3A_384 : vector<16xf32>
    %add3A_386 = arith.addf %add3A_323, %mul3A_385 : vector<16xf32>
    %add3A_387 = arith.constant 16 : i32
    %add3A_388 = vector.broadcast %add3A_387 : i32 to vector<16xi32>
    %add3A_389 = arith.addi %add3A_388, %iota3A : vector<16xi32>
    %gather3A_390 = arith.constant 2 : i32
    %gather3A_391 = arith.constant 0 : i32
    %gather3A_392 = arith.constant 0 : i32
    %gather3A_393 = tpu.memref_slice %arg6[%gather3A_390, %gather3A_391, %gather3A_392] : memref<7x64x128xf32, #tpu.memory_space<vmem>> -> memref<1x64x128xf32, #tpu.memory_space<vmem>>
    %gather3A_394 = tpu.memref_squeeze %gather3A_393 : memref<1x64x128xf32, #tpu.memory_space<vmem>> -> memref<64x128xf32, #tpu.memory_space<vmem>>
    %gather3A_395 = tpu.vector_load_idx %gather3A_394[%add3A_389, %add3A_365] : memref<64x128xf32, #tpu.memory_space<vmem>>[vector<16xi32>, vector<16xi32>], vector<16xf32>,
    %mul3A_396 = vector.broadcast %select_n3A_374 : f32 to vector<16xf32>
    %mul3A_397 = arith.mulf %gather3A_395, %mul3A_396 : vector<16xf32>
    %add3A_398 = arith.addf %add3A_335, %mul3A_397 : vector<16xf32>
    %add3A_399 = arith.constant 32 : i32
    %add3A_400 = vector.broadcast %add3A_399 : i32 to vector<16xi32>
    %add3A_401 = arith.addi %add3A_400, %iota3A : vector<16xi32>
    %gather3A_402 = arith.constant 2 : i32
    %gather3A_403 = arith.constant 0 : i32
    %gather3A_404 = arith.constant 0 : i32
    %gather3A_405 = tpu.memref_slice %arg6[%gather3A_402, %gather3A_403, %gather3A_404] : memref<7x64x128xf32, #tpu.memory_space<vmem>> -> memref<1x64x128xf32, #tpu.memory_space<vmem>>
    %gather3A_406 = tpu.memref_squeeze %gather3A_405 : memref<1x64x128xf32, #tpu.memory_space<vmem>> -> memref<64x128xf32, #tpu.memory_space<vmem>>
    %gather3A_407 = tpu.vector_load_idx %gather3A_406[%add3A_401, %add3A_365] : memref<64x128xf32, #tpu.memory_space<vmem>>[vector<16xi32>, vector<16xi32>], vector<16xf32>,
    %mul3A_408 = vector.broadcast %select_n3A_374 : f32 to vector<16xf32>
    %mul3A_409 = arith.mulf %gather3A_407, %mul3A_408 : vector<16xf32>
    %add3A_410 = arith.addf %add3A_347, %mul3A_409 : vector<16xf32>
    %add3A_411 = arith.constant 48 : i32
    %add3A_412 = vector.broadcast %add3A_411 : i32 to vector<16xi32>
    %add3A_413 = arith.addi %add3A_412, %iota3A : vector<16xi32>
    %gather3A_414 = arith.constant 2 : i32
    %gather3A_415 = arith.constant 0 : i32
    %gather3A_416 = arith.constant 0 : i32
    %gather3A_417 = tpu.memref_slice %arg6[%gather3A_414, %gather3A_415, %gather3A_416] : memref<7x64x128xf32, #tpu.memory_space<vmem>> -> memref<1x64x128xf32, #tpu.memory_space<vmem>>
    %gather3A_418 = tpu.memref_squeeze %gather3A_417 : memref<1x64x128xf32, #tpu.memory_space<vmem>> -> memref<64x128xf32, #tpu.memory_space<vmem>>
    %gather3A_419 = tpu.vector_load_idx %gather3A_418[%add3A_413, %add3A_365] : memref<64x128xf32, #tpu.memory_space<vmem>>[vector<16xi32>, vector<16xi32>], vector<16xf32>,
    %mul3A_420 = vector.broadcast %select_n3A_374 : f32 to vector<16xf32>
    %mul3A_421 = arith.mulf %gather3A_419, %mul3A_420 : vector<16xf32>
    %add3A_422 = arith.addf %add3A_359, %mul3A_421 : vector<16xf32>
    %broadcast_in_dim3A_423 = arith.constant 0 : i32
    %broadcast_in_dim3A_424 = vector.broadcast %broadcast_in_dim3A_423 : i32 to vector<16xi32>
    %and3A_425 = arith.constant 127 : i32
    %and3A_426 = arith.andi %squeeze3A_12, %and3A_425 : i32
    %add3A_427 = vector.broadcast %and3A_426 : i32 to vector<16xi32>
    %add3A_428 = arith.addi %broadcast_in_dim3A_424, %add3A_427 : vector<16xi32>
    %mul3A_429 = arith.constant 7 : i32
    %mul3A_430 = arith.muli %add3A, %mul3A_429 : i32
    %add3A_431 = arith.constant 3 : i32
    %add3A_432 = arith.addi %mul3A_430, %add3A_431 : i32
    %lt3A_433 = arith.constant 200 : i32
    %lt3A_434 = arith.cmpi slt, %add3A_432, %lt3A_433 : i32
    %jit3A_435 = arith.constant 1.000000e+00 : f32
    %jit3A_436 = arith.constant 0.000000e+00 : f32
    %select_n3A_437 = arith.select %lt3A_434, %jit3A_435, %jit3A_436 : f32
    %add3A_438 = arith.constant 0 : i32
    %add3A_439 = vector.broadcast %add3A_438 : i32 to vector<16xi32>
    %add3A_440 = arith.addi %add3A_439, %iota3A : vector<16xi32>
    %gather3A_441 = arith.constant 3 : i32
    %gather3A_442 = arith.constant 0 : i32
    %gather3A_443 = arith.constant 0 : i32
    %gather3A_444 = tpu.memref_slice %arg6[%gather3A_441, %gather3A_442, %gather3A_443] : memref<7x64x128xf32, #tpu.memory_space<vmem>> -> memref<1x64x128xf32, #tpu.memory_space<vmem>>
    %gather3A_445 = tpu.memref_squeeze %gather3A_444 : memref<1x64x128xf32, #tpu.memory_space<vmem>> -> memref<64x128xf32, #tpu.memory_space<vmem>>
    %gather3A_446 = tpu.vector_load_idx %gather3A_445[%add3A_440, %add3A_428] : memref<64x128xf32, #tpu.memory_space<vmem>>[vector<16xi32>, vector<16xi32>], vector<16xf32>,
    %mul3A_447 = vector.broadcast %select_n3A_437 : f32 to vector<16xf32>
    %mul3A_448 = arith.mulf %gather3A_446, %mul3A_447 : vector<16xf32>
    %add3A_449 = arith.addf %add3A_386, %mul3A_448 : vector<16xf32>
    %add3A_450 = arith.constant 16 : i32
    %add3A_451 = vector.broadcast %add3A_450 : i32 to vector<16xi32>
    %add3A_452 = arith.addi %add3A_451, %iota3A : vector<16xi32>
    %gather3A_453 = arith.constant 3 : i32
    %gather3A_454 = arith.constant 0 : i32
    %gather3A_455 = arith.constant 0 : i32
    %gather3A_456 = tpu.memref_slice %arg6[%gather3A_453, %gather3A_454, %gather3A_455] : memref<7x64x128xf32, #tpu.memory_space<vmem>> -> memref<1x64x128xf32, #tpu.memory_space<vmem>>
    %gather3A_457 = tpu.memref_squeeze %gather3A_456 : memref<1x64x128xf32, #tpu.memory_space<vmem>> -> memref<64x128xf32, #tpu.memory_space<vmem>>
    %gather3A_458 = tpu.vector_load_idx %gather3A_457[%add3A_452, %add3A_428] : memref<64x128xf32, #tpu.memory_space<vmem>>[vector<16xi32>, vector<16xi32>], vector<16xf32>,
    %mul3A_459 = vector.broadcast %select_n3A_437 : f32 to vector<16xf32>
    %mul3A_460 = arith.mulf %gather3A_458, %mul3A_459 : vector<16xf32>
    %add3A_461 = arith.addf %add3A_398, %mul3A_460 : vector<16xf32>
    %add3A_462 = arith.constant 32 : i32
    %add3A_463 = vector.broadcast %add3A_462 : i32 to vector<16xi32>
    %add3A_464 = arith.addi %add3A_463, %iota3A : vector<16xi32>
    %gather3A_465 = arith.constant 3 : i32
    %gather3A_466 = arith.constant 0 : i32
    %gather3A_467 = arith.constant 0 : i32
    %gather3A_468 = tpu.memref_slice %arg6[%gather3A_465, %gather3A_466, %gather3A_467] : memref<7x64x128xf32, #tpu.memory_space<vmem>> -> memref<1x64x128xf32, #tpu.memory_space<vmem>>
    %gather3A_469 = tpu.memref_squeeze %gather3A_468 : memref<1x64x128xf32, #tpu.memory_space<vmem>> -> memref<64x128xf32, #tpu.memory_space<vmem>>
    %gather3A_470 = tpu.vector_load_idx %gather3A_469[%add3A_464, %add3A_428] : memref<64x128xf32, #tpu.memory_space<vmem>>[vector<16xi32>, vector<16xi32>], vector<16xf32>,
    %mul3A_471 = vector.broadcast %select_n3A_437 : f32 to vector<16xf32>
    %mul3A_472 = arith.mulf %gather3A_470, %mul3A_471 : vector<16xf32>
    %add3A_473 = arith.addf %add3A_410, %mul3A_472 : vector<16xf32>
    %add3A_474 = arith.constant 48 : i32
    %add3A_475 = vector.broadcast %add3A_474 : i32 to vector<16xi32>
    %add3A_476 = arith.addi %add3A_475, %iota3A : vector<16xi32>
    %gather3A_477 = arith.constant 3 : i32
    %gather3A_478 = arith.constant 0 : i32
    %gather3A_479 = arith.constant 0 : i32
    %gather3A_480 = tpu.memref_slice %arg6[%gather3A_477, %gather3A_478, %gather3A_479] : memref<7x64x128xf32, #tpu.memory_space<vmem>> -> memref<1x64x128xf32, #tpu.memory_space<vmem>>
    %gather3A_481 = tpu.memref_squeeze %gather3A_480 : memref<1x64x128xf32, #tpu.memory_space<vmem>> -> memref<64x128xf32, #tpu.memory_space<vmem>>
    %gather3A_482 = tpu.vector_load_idx %gather3A_481[%add3A_476, %add3A_428] : memref<64x128xf32, #tpu.memory_space<vmem>>[vector<16xi32>, vector<16xi32>], vector<16xf32>,
    %mul3A_483 = vector.broadcast %select_n3A_437 : f32 to vector<16xf32>
    %mul3A_484 = arith.mulf %gather3A_482, %mul3A_483 : vector<16xf32>
    %add3A_485 = arith.addf %add3A_422, %mul3A_484 : vector<16xf32>
    %broadcast_in_dim3A_486 = arith.constant 0 : i32
    %broadcast_in_dim3A_487 = vector.broadcast %broadcast_in_dim3A_486 : i32 to vector<16xi32>
    %and3A_488 = arith.constant 127 : i32
    %and3A_489 = arith.andi %squeeze3A_14, %and3A_488 : i32
    %add3A_490 = vector.broadcast %and3A_489 : i32 to vector<16xi32>
    %add3A_491 = arith.addi %broadcast_in_dim3A_487, %add3A_490 : vector<16xi32>
    %mul3A_492 = arith.constant 7 : i32
    %mul3A_493 = arith.muli %add3A, %mul3A_492 : i32
    %add3A_494 = arith.constant 4 : i32
    %add3A_495 = arith.addi %mul3A_493, %add3A_494 : i32
    %lt3A_496 = arith.constant 200 : i32
    %lt3A_497 = arith.cmpi slt, %add3A_495, %lt3A_496 : i32
    %jit3A_498 = arith.constant 1.000000e+00 : f32
    %jit3A_499 = arith.constant 0.000000e+00 : f32
    %select_n3A_500 = arith.select %lt3A_497, %jit3A_498, %jit3A_499 : f32
    %add3A_501 = arith.constant 0 : i32
    %add3A_502 = vector.broadcast %add3A_501 : i32 to vector<16xi32>
    %add3A_503 = arith.addi %add3A_502, %iota3A : vector<16xi32>
    %gather3A_504 = arith.constant 4 : i32
    %gather3A_505 = arith.constant 0 : i32
    %gather3A_506 = arith.constant 0 : i32
    %gather3A_507 = tpu.memref_slice %arg6[%gather3A_504, %gather3A_505, %gather3A_506] : memref<7x64x128xf32, #tpu.memory_space<vmem>> -> memref<1x64x128xf32, #tpu.memory_space<vmem>>
    %gather3A_508 = tpu.memref_squeeze %gather3A_507 : memref<1x64x128xf32, #tpu.memory_space<vmem>> -> memref<64x128xf32, #tpu.memory_space<vmem>>
    %gather3A_509 = tpu.vector_load_idx %gather3A_508[%add3A_503, %add3A_491] : memref<64x128xf32, #tpu.memory_space<vmem>>[vector<16xi32>, vector<16xi32>], vector<16xf32>,
    %mul3A_510 = vector.broadcast %select_n3A_500 : f32 to vector<16xf32>
    %mul3A_511 = arith.mulf %gather3A_509, %mul3A_510 : vector<16xf32>
    %add3A_512 = arith.addf %add3A_449, %mul3A_511 : vector<16xf32>
    %add3A_513 = arith.constant 16 : i32
    %add3A_514 = vector.broadcast %add3A_513 : i32 to vector<16xi32>
    %add3A_515 = arith.addi %add3A_514, %iota3A : vector<16xi32>
    %gather3A_516 = arith.constant 4 : i32
    %gather3A_517 = arith.constant 0 : i32
    %gather3A_518 = arith.constant 0 : i32
    %gather3A_519 = tpu.memref_slice %arg6[%gather3A_516, %gather3A_517, %gather3A_518] : memref<7x64x128xf32, #tpu.memory_space<vmem>> -> memref<1x64x128xf32, #tpu.memory_space<vmem>>
    %gather3A_520 = tpu.memref_squeeze %gather3A_519 : memref<1x64x128xf32, #tpu.memory_space<vmem>> -> memref<64x128xf32, #tpu.memory_space<vmem>>
    %gather3A_521 = tpu.vector_load_idx %gather3A_520[%add3A_515, %add3A_491] : memref<64x128xf32, #tpu.memory_space<vmem>>[vector<16xi32>, vector<16xi32>], vector<16xf32>,
    %mul3A_522 = vector.broadcast %select_n3A_500 : f32 to vector<16xf32>
    %mul3A_523 = arith.mulf %gather3A_521, %mul3A_522 : vector<16xf32>
    %add3A_524 = arith.addf %add3A_461, %mul3A_523 : vector<16xf32>
    %add3A_525 = arith.constant 32 : i32
    %add3A_526 = vector.broadcast %add3A_525 : i32 to vector<16xi32>
    %add3A_527 = arith.addi %add3A_526, %iota3A : vector<16xi32>
    %gather3A_528 = arith.constant 4 : i32
    %gather3A_529 = arith.constant 0 : i32
    %gather3A_530 = arith.constant 0 : i32
    %gather3A_531 = tpu.memref_slice %arg6[%gather3A_528, %gather3A_529, %gather3A_530] : memref<7x64x128xf32, #tpu.memory_space<vmem>> -> memref<1x64x128xf32, #tpu.memory_space<vmem>>
    %gather3A_532 = tpu.memref_squeeze %gather3A_531 : memref<1x64x128xf32, #tpu.memory_space<vmem>> -> memref<64x128xf32, #tpu.memory_space<vmem>>
    %gather3A_533 = tpu.vector_load_idx %gather3A_532[%add3A_527, %add3A_491] : memref<64x128xf32, #tpu.memory_space<vmem>>[vector<16xi32>, vector<16xi32>], vector<16xf32>,
    %mul3A_534 = vector.broadcast %select_n3A_500 : f32 to vector<16xf32>
    %mul3A_535 = arith.mulf %gather3A_533, %mul3A_534 : vector<16xf32>
    %add3A_536 = arith.addf %add3A_473, %mul3A_535 : vector<16xf32>
    %add3A_537 = arith.constant 48 : i32
    %add3A_538 = vector.broadcast %add3A_537 : i32 to vector<16xi32>
    %add3A_539 = arith.addi %add3A_538, %iota3A : vector<16xi32>
    %gather3A_540 = arith.constant 4 : i32
    %gather3A_541 = arith.constant 0 : i32
    %gather3A_542 = arith.constant 0 : i32
    %gather3A_543 = tpu.memref_slice %arg6[%gather3A_540, %gather3A_541, %gather3A_542] : memref<7x64x128xf32, #tpu.memory_space<vmem>> -> memref<1x64x128xf32, #tpu.memory_space<vmem>>
    %gather3A_544 = tpu.memref_squeeze %gather3A_543 : memref<1x64x128xf32, #tpu.memory_space<vmem>> -> memref<64x128xf32, #tpu.memory_space<vmem>>
    %gather3A_545 = tpu.vector_load_idx %gather3A_544[%add3A_539, %add3A_491] : memref<64x128xf32, #tpu.memory_space<vmem>>[vector<16xi32>, vector<16xi32>], vector<16xf32>,
    %mul3A_546 = vector.broadcast %select_n3A_500 : f32 to vector<16xf32>
    %mul3A_547 = arith.mulf %gather3A_545, %mul3A_546 : vector<16xf32>
    %add3A_548 = arith.addf %add3A_485, %mul3A_547 : vector<16xf32>
    %broadcast_in_dim3A_549 = arith.constant 0 : i32
    %broadcast_in_dim3A_550 = vector.broadcast %broadcast_in_dim3A_549 : i32 to vector<16xi32>
    %and3A_551 = arith.constant 127 : i32
    %and3A_552 = arith.andi %squeeze3A_16, %and3A_551 : i32
    %add3A_553 = vector.broadcast %and3A_552 : i32 to vector<16xi32>
    %add3A_554 = arith.addi %broadcast_in_dim3A_550, %add3A_553 : vector<16xi32>
    %mul3A_555 = arith.constant 7 : i32
    %mul3A_556 = arith.muli %add3A, %mul3A_555 : i32
    %add3A_557 = arith.constant 5 : i32
    %add3A_558 = arith.addi %mul3A_556, %add3A_557 : i32
    %lt3A_559 = arith.constant 200 : i32
    %lt3A_560 = arith.cmpi slt, %add3A_558, %lt3A_559 : i32
    %jit3A_561 = arith.constant 1.000000e+00 : f32
    %jit3A_562 = arith.constant 0.000000e+00 : f32
    %select_n3A_563 = arith.select %lt3A_560, %jit3A_561, %jit3A_562 : f32
    %add3A_564 = arith.constant 0 : i32
    %add3A_565 = vector.broadcast %add3A_564 : i32 to vector<16xi32>
    %add3A_566 = arith.addi %add3A_565, %iota3A : vector<16xi32>
    %gather3A_567 = arith.constant 5 : i32
    %gather3A_568 = arith.constant 0 : i32
    %gather3A_569 = arith.constant 0 : i32
    %gather3A_570 = tpu.memref_slice %arg6[%gather3A_567, %gather3A_568, %gather3A_569] : memref<7x64x128xf32, #tpu.memory_space<vmem>> -> memref<1x64x128xf32, #tpu.memory_space<vmem>>
    %gather3A_571 = tpu.memref_squeeze %gather3A_570 : memref<1x64x128xf32, #tpu.memory_space<vmem>> -> memref<64x128xf32, #tpu.memory_space<vmem>>
    %gather3A_572 = tpu.vector_load_idx %gather3A_571[%add3A_566, %add3A_554] : memref<64x128xf32, #tpu.memory_space<vmem>>[vector<16xi32>, vector<16xi32>], vector<16xf32>,
    %mul3A_573 = vector.broadcast %select_n3A_563 : f32 to vector<16xf32>
    %mul3A_574 = arith.mulf %gather3A_572, %mul3A_573 : vector<16xf32>
    %add3A_575 = arith.addf %add3A_512, %mul3A_574 : vector<16xf32>
    %add3A_576 = arith.constant 16 : i32
    %add3A_577 = vector.broadcast %add3A_576 : i32 to vector<16xi32>
    %add3A_578 = arith.addi %add3A_577, %iota3A : vector<16xi32>
    %gather3A_579 = arith.constant 5 : i32
    %gather3A_580 = arith.constant 0 : i32
    %gather3A_581 = arith.constant 0 : i32
    %gather3A_582 = tpu.memref_slice %arg6[%gather3A_579, %gather3A_580, %gather3A_581] : memref<7x64x128xf32, #tpu.memory_space<vmem>> -> memref<1x64x128xf32, #tpu.memory_space<vmem>>
    %gather3A_583 = tpu.memref_squeeze %gather3A_582 : memref<1x64x128xf32, #tpu.memory_space<vmem>> -> memref<64x128xf32, #tpu.memory_space<vmem>>
    %gather3A_584 = tpu.vector_load_idx %gather3A_583[%add3A_578, %add3A_554] : memref<64x128xf32, #tpu.memory_space<vmem>>[vector<16xi32>, vector<16xi32>], vector<16xf32>,
    %mul3A_585 = vector.broadcast %select_n3A_563 : f32 to vector<16xf32>
    %mul3A_586 = arith.mulf %gather3A_584, %mul3A_585 : vector<16xf32>
    %add3A_587 = arith.addf %add3A_524, %mul3A_586 : vector<16xf32>
    %add3A_588 = arith.constant 32 : i32
    %add3A_589 = vector.broadcast %add3A_588 : i32 to vector<16xi32>
    %add3A_590 = arith.addi %add3A_589, %iota3A : vector<16xi32>
    %gather3A_591 = arith.constant 5 : i32
    %gather3A_592 = arith.constant 0 : i32
    %gather3A_593 = arith.constant 0 : i32
    %gather3A_594 = tpu.memref_slice %arg6[%gather3A_591, %gather3A_592, %gather3A_593] : memref<7x64x128xf32, #tpu.memory_space<vmem>> -> memref<1x64x128xf32, #tpu.memory_space<vmem>>
    %gather3A_595 = tpu.memref_squeeze %gather3A_594 : memref<1x64x128xf32, #tpu.memory_space<vmem>> -> memref<64x128xf32, #tpu.memory_space<vmem>>
    %gather3A_596 = tpu.vector_load_idx %gather3A_595[%add3A_590, %add3A_554] : memref<64x128xf32, #tpu.memory_space<vmem>>[vector<16xi32>, vector<16xi32>], vector<16xf32>,
    %mul3A_597 = vector.broadcast %select_n3A_563 : f32 to vector<16xf32>
    %mul3A_598 = arith.mulf %gather3A_596, %mul3A_597 : vector<16xf32>
    %add3A_599 = arith.addf %add3A_536, %mul3A_598 : vector<16xf32>
    %add3A_600 = arith.constant 48 : i32
    %add3A_601 = vector.broadcast %add3A_600 : i32 to vector<16xi32>
    %add3A_602 = arith.addi %add3A_601, %iota3A : vector<16xi32>
    %gather3A_603 = arith.constant 5 : i32
    %gather3A_604 = arith.constant 0 : i32
    %gather3A_605 = arith.constant 0 : i32
    %gather3A_606 = tpu.memref_slice %arg6[%gather3A_603, %gather3A_604, %gather3A_605] : memref<7x64x128xf32, #tpu.memory_space<vmem>> -> memref<1x64x128xf32, #tpu.memory_space<vmem>>
    %gather3A_607 = tpu.memref_squeeze %gather3A_606 : memref<1x64x128xf32, #tpu.memory_space<vmem>> -> memref<64x128xf32, #tpu.memory_space<vmem>>
    %gather3A_608 = tpu.vector_load_idx %gather3A_607[%add3A_602, %add3A_554] : memref<64x128xf32, #tpu.memory_space<vmem>>[vector<16xi32>, vector<16xi32>], vector<16xf32>,
    %mul3A_609 = vector.broadcast %select_n3A_563 : f32 to vector<16xf32>
    %mul3A_610 = arith.mulf %gather3A_608, %mul3A_609 : vector<16xf32>
    %add3A_611 = arith.addf %add3A_548, %mul3A_610 : vector<16xf32>
    %broadcast_in_dim3A_612 = arith.constant 0 : i32
    %broadcast_in_dim3A_613 = vector.broadcast %broadcast_in_dim3A_612 : i32 to vector<16xi32>
    %and3A_614 = arith.constant 127 : i32
    %and3A_615 = arith.andi %squeeze3A_18, %and3A_614 : i32
    %add3A_616 = vector.broadcast %and3A_615 : i32 to vector<16xi32>
    %add3A_617 = arith.addi %broadcast_in_dim3A_613, %add3A_616 : vector<16xi32>
    %mul3A_618 = arith.constant 7 : i32
    %mul3A_619 = arith.muli %add3A, %mul3A_618 : i32
    %add3A_620 = arith.constant 6 : i32
    %add3A_621 = arith.addi %mul3A_619, %add3A_620 : i32
    %lt3A_622 = arith.constant 200 : i32
    %lt3A_623 = arith.cmpi slt, %add3A_621, %lt3A_622 : i32
    %jit3A_624 = arith.constant 1.000000e+00 : f32
    %jit3A_625 = arith.constant 0.000000e+00 : f32
    %select_n3A_626 = arith.select %lt3A_623, %jit3A_624, %jit3A_625 : f32
    %add3A_627 = arith.constant 0 : i32
    %add3A_628 = vector.broadcast %add3A_627 : i32 to vector<16xi32>
    %add3A_629 = arith.addi %add3A_628, %iota3A : vector<16xi32>
    %gather3A_630 = arith.constant 6 : i32
    %gather3A_631 = arith.constant 0 : i32
    %gather3A_632 = arith.constant 0 : i32
    %gather3A_633 = tpu.memref_slice %arg6[%gather3A_630, %gather3A_631, %gather3A_632] : memref<7x64x128xf32, #tpu.memory_space<vmem>> -> memref<1x64x128xf32, #tpu.memory_space<vmem>>
    %gather3A_634 = tpu.memref_squeeze %gather3A_633 : memref<1x64x128xf32, #tpu.memory_space<vmem>> -> memref<64x128xf32, #tpu.memory_space<vmem>>
    %gather3A_635 = tpu.vector_load_idx %gather3A_634[%add3A_629, %add3A_617] : memref<64x128xf32, #tpu.memory_space<vmem>>[vector<16xi32>, vector<16xi32>], vector<16xf32>,
    %mul3A_636 = vector.broadcast %select_n3A_626 : f32 to vector<16xf32>
    %mul3A_637 = arith.mulf %gather3A_635, %mul3A_636 : vector<16xf32>
    %add3A_638 = arith.addf %add3A_575, %mul3A_637 : vector<16xf32>
    %add3A_639 = arith.constant 16 : i32
    %add3A_640 = vector.broadcast %add3A_639 : i32 to vector<16xi32>
    %add3A_641 = arith.addi %add3A_640, %iota3A : vector<16xi32>
    %gather3A_642 = arith.constant 6 : i32
    %gather3A_643 = arith.constant 0 : i32
    %gather3A_644 = arith.constant 0 : i32
    %gather3A_645 = tpu.memref_slice %arg6[%gather3A_642, %gather3A_643, %gather3A_644] : memref<7x64x128xf32, #tpu.memory_space<vmem>> -> memref<1x64x128xf32, #tpu.memory_space<vmem>>
    %gather3A_646 = tpu.memref_squeeze %gather3A_645 : memref<1x64x128xf32, #tpu.memory_space<vmem>> -> memref<64x128xf32, #tpu.memory_space<vmem>>
    %gather3A_647 = tpu.vector_load_idx %gather3A_646[%add3A_641, %add3A_617] : memref<64x128xf32, #tpu.memory_space<vmem>>[vector<16xi32>, vector<16xi32>], vector<16xf32>,
    %mul3A_648 = vector.broadcast %select_n3A_626 : f32 to vector<16xf32>
    %mul3A_649 = arith.mulf %gather3A_647, %mul3A_648 : vector<16xf32>
    %add3A_650 = arith.addf %add3A_587, %mul3A_649 : vector<16xf32>
    %add3A_651 = arith.constant 32 : i32
    %add3A_652 = vector.broadcast %add3A_651 : i32 to vector<16xi32>
    %add3A_653 = arith.addi %add3A_652, %iota3A : vector<16xi32>
    %gather3A_654 = arith.constant 6 : i32
    %gather3A_655 = arith.constant 0 : i32
    %gather3A_656 = arith.constant 0 : i32
    %gather3A_657 = tpu.memref_slice %arg6[%gather3A_654, %gather3A_655, %gather3A_656] : memref<7x64x128xf32, #tpu.memory_space<vmem>> -> memref<1x64x128xf32, #tpu.memory_space<vmem>>
    %gather3A_658 = tpu.memref_squeeze %gather3A_657 : memref<1x64x128xf32, #tpu.memory_space<vmem>> -> memref<64x128xf32, #tpu.memory_space<vmem>>
    %gather3A_659 = tpu.vector_load_idx %gather3A_658[%add3A_653, %add3A_617] : memref<64x128xf32, #tpu.memory_space<vmem>>[vector<16xi32>, vector<16xi32>], vector<16xf32>,
    %mul3A_660 = vector.broadcast %select_n3A_626 : f32 to vector<16xf32>
    %mul3A_661 = arith.mulf %gather3A_659, %mul3A_660 : vector<16xf32>
    %add3A_662 = arith.addf %add3A_599, %mul3A_661 : vector<16xf32>
    %add3A_663 = arith.constant 48 : i32
    %add3A_664 = vector.broadcast %add3A_663 : i32 to vector<16xi32>
    %add3A_665 = arith.addi %add3A_664, %iota3A : vector<16xi32>
    %gather3A_666 = arith.constant 6 : i32
    %gather3A_667 = arith.constant 0 : i32
    %gather3A_668 = arith.constant 0 : i32
    %gather3A_669 = tpu.memref_slice %arg6[%gather3A_666, %gather3A_667, %gather3A_668] : memref<7x64x128xf32, #tpu.memory_space<vmem>> -> memref<1x64x128xf32, #tpu.memory_space<vmem>>
    %gather3A_670 = tpu.memref_squeeze %gather3A_669 : memref<1x64x128xf32, #tpu.memory_space<vmem>> -> memref<64x128xf32, #tpu.memory_space<vmem>>
    %gather3A_671 = tpu.vector_load_idx %gather3A_670[%add3A_665, %add3A_617] : memref<64x128xf32, #tpu.memory_space<vmem>>[vector<16xi32>, vector<16xi32>], vector<16xf32>,
    %mul3A_672 = vector.broadcast %select_n3A_626 : f32 to vector<16xf32>
    %mul3A_673 = arith.mulf %gather3A_671, %mul3A_672 : vector<16xf32>
    %add3A_674 = arith.addf %add3A_611, %mul3A_673 : vector<16xf32>
    %swap3A = arith.constant 0 : index
    %swap3A_675 = tpu.vector_load %arg7[%swap3A] {strides = array<i32>} : memref<64xf32, #tpu.memory_space<vmem>>, vector<16xf32>,
    tpu.vector_store %arg7[%swap3A], %add3A_638 {strides = array<i32>} : memref<64xf32, #tpu.memory_space<vmem>>, vector<16xf32>,
    %swap3A_676 = arith.constant 16 : index
    %swap3A_677 = tpu.vector_load %arg7[%swap3A_676] {strides = array<i32>} : memref<64xf32, #tpu.memory_space<vmem>>, vector<16xf32>,
    tpu.vector_store %arg7[%swap3A_676], %add3A_650 {strides = array<i32>} : memref<64xf32, #tpu.memory_space<vmem>>, vector<16xf32>,
    %swap3A_678 = arith.constant 32 : index
    %swap3A_679 = tpu.vector_load %arg7[%swap3A_678] {strides = array<i32>} : memref<64xf32, #tpu.memory_space<vmem>>, vector<16xf32>,
    tpu.vector_store %arg7[%swap3A_678], %add3A_662 {strides = array<i32>} : memref<64xf32, #tpu.memory_space<vmem>>, vector<16xf32>,
    %swap3A_680 = arith.constant 48 : index
    %swap3A_681 = tpu.vector_load %arg7[%swap3A_680] {strides = array<i32>} : memref<64xf32, #tpu.memory_space<vmem>>, vector<16xf32>,
    tpu.vector_store %arg7[%swap3A_680], %add3A_674 {strides = array<i32>} : memref<64xf32, #tpu.memory_space<vmem>>, vector<16xf32>,
    "tpu.region"() ({
      %run_scoped3A = tpu.sem_alloc : memref<!tpu.dma_semaphore, #tpu.memory_space<semaphore_mem>>
      %dma_start3A_682 = arith.constant 0 : i32
      %dma_start3A_683 = tpu.memref_slice %arg4[%add3A, %dma_start3A_682] : memref<32x64xf32, #tpu.memory_space<hbm>> -> memref<1x64xf32, #tpu.memory_space<hbm>>
      %dma_start3A_684 = tpu.memref_squeeze %dma_start3A_683 : memref<1x64xf32, #tpu.memory_space<hbm>> -> memref<64xf32, #tpu.memory_space<hbm>>
      %dma_start3A_685 = arith.constant 0 : i32
      %dma_start3A_686 = tpu.memref_slice %arg4[%add3A, %dma_start3A_685] : memref<32x64xf32, #tpu.memory_space<hbm>> -> memref<1x64xf32, #tpu.memory_space<hbm>>
      %dma_start3A_687 = tpu.memref_squeeze %dma_start3A_686 : memref<1x64xf32, #tpu.memory_space<hbm>> -> memref<64xf32, #tpu.memory_space<hbm>>
      tpu.enqueue_dma source(%arg7 : memref<64xf32, #tpu.memory_space<vmem>>) target(%dma_start3A_687 : memref<64xf32, #tpu.memory_space<hbm>>) target_semaphore(%run_scoped3A : memref<!tpu.dma_semaphore, #tpu.memory_space<semaphore_mem>>)
      %dma_wait3A_688 = arith.constant 0 : i32
      %dma_wait3A_689 = tpu.memref_slice %arg4[%add3A, %dma_wait3A_688] : memref<32x64xf32, #tpu.memory_space<hbm>> -> memref<1x64xf32, #tpu.memory_space<hbm>>
      %dma_wait3A_690 = tpu.memref_squeeze %dma_wait3A_689 : memref<1x64xf32, #tpu.memory_space<hbm>> -> memref<64xf32, #tpu.memory_space<hbm>>
      %dma_wait3A_691 = arith.constant 0 : i32
      %dma_wait3A_692 = tpu.memref_slice %arg4[%add3A, %dma_wait3A_691] : memref<32x64xf32, #tpu.memory_space<hbm>> -> memref<1x64xf32, #tpu.memory_space<hbm>>
      %dma_wait3A_693 = tpu.memref_squeeze %dma_wait3A_692 : memref<1x64xf32, #tpu.memory_space<hbm>> -> memref<64xf32, #tpu.memory_space<hbm>>
      tpu.wait_dma2 semaphore(%run_scoped3A : memref<!tpu.dma_semaphore, #tpu.memory_space<semaphore_mem>>) src(%arg7 : memref<64xf32, #tpu.memory_space<vmem>>) dst(%dma_wait3A_693 : memref<64xf32, #tpu.memory_space<hbm>>)
      tpu.yield
    }) : () -> ()
    return
  }
}

module attributes {stable_mosaic.version = 14 : i64} {
  func.func @_tc_finish(%arg0: memref<32x64xf32, #tpu.memory_space<vmem>>, %arg1: memref<1x64xf32, #tpu.memory_space<vmem>>) attributes {dimension_semantics = [], scalar_prefetch = 0 : i64, scratch_operands = 0 : i64, tpu.core_type = #tpu.core_type<tc>} {
    %get3A = arith.constant 0 : index
    %get3A_0 = arith.constant 0 : index
    %get3A_1 = vector.load %arg0[%get3A, %get3A_0] : memref<32x64xf32, #tpu.memory_space<vmem>>, vector<32x64xf32>
    %reduce_sum3A = arith.constant dense<0.000000e+00> : vector<64xf32>
    %reduce_sum3A_2 = vector.multi_reduction <add>, %get3A_1, %reduce_sum3A [0] : vector<32x64xf32> to vector<64xf32>
    %broadcast_in_dim3A = vector.shape_cast %reduce_sum3A_2 : vector<64xf32> to vector<1x64xf32>
    %mul3A = arith.constant 5.000000e-03 : f32
    %mul3A_3 = vector.broadcast %mul3A : f32 to vector<1x64xf32>
    %mul3A_4 = arith.mulf %broadcast_in_dim3A, %mul3A_3 : vector<1x64xf32>
    %mul3A_5 = arith.mulf %mul3A_4, %mul3A_4 : vector<1x64xf32>
    %reduce_sum3A_6 = vector.shape_cast %mul3A_5 : vector<1x64xf32> to vector<1x1x64xf32>
    %reduce_sum3A_7 = arith.constant dense<0.000000e+00> : vector<1xf32>
    %reduce_sum3A_8 = vector.multi_reduction <add>, %reduce_sum3A_6, %reduce_sum3A_7 [1, 2] : vector<1x1x64xf32> to vector<1xf32>
    %reduce_sum3A_9 = vector.shape_cast %reduce_sum3A_8 : vector<1xf32> to vector<1x1x1xf32>
    %reduce_sum3A_10 = vector.extract %reduce_sum3A_9[0, 0, 0] : f32 from vector<1x1x1xf32>
    %sqrt3A = math.sqrt %reduce_sum3A_10 : f32
    %max3A = arith.constant 9.99999996E-13 : f32
    %max3A_11 = arith.maximumf %sqrt3A, %max3A : f32
    %div3A = vector.broadcast %max3A_11 : f32 to vector<1x64xf32>
    %div3A_12 = arith.divf %mul3A_4, %div3A : vector<1x64xf32>
    %swap3A = arith.constant 0 : index
    %swap3A_13 = arith.constant 0 : index
    %swap3A_14 = vector.load %arg1[%swap3A, %swap3A_13] : memref<1x64xf32, #tpu.memory_space<vmem>>, vector<1x64xf32>
    tpu.vector_store %arg1[%swap3A, %swap3A_13], %div3A_12 {strides = array<i32>} : memref<1x64xf32, #tpu.memory_space<vmem>>, vector<1x64xf32>,
    return
  }
}

</mosaic_0001>

<sc_bundles>
// kernel: kernel.4.cloned.1.call-start
scs
__scs_entry_jumppad:
0x0: {  	(pc) =	sbr.rel $0x88, $3  }
0x1: {  	(tag) =	ssettag $0x0;
	lr =	simm.s32 $0x1  }
0x2: {  	[smem:$0x3F9F] =	sst lr;
	_ =	strace $0xD0000000  }
0x3: {  	_ = 	snop  }
0x4: {  	_ = 	snop  }
0x5: {  	_ = 	snop  }
0x6: {  	_ = 	snop  }
0x7: {  	_ = 	snop  }
__scs_overlays_trampoline_lowered:
0x8: {  	[smem:$0x3FAE] =	sst s0  }
0x9: {  	[smem:$0x3FAF] =	sst s1  }
0xa: {  	[smem:$0x3FB0] =	sst s2  }
0xb: {  	[smem:$0x3FB1] =	sst s3  }
0xc: {  	[smem:$0x3FB2] =	sst s4  }
0xd: {  	[smem:$0x3FB3] =	sst s5  }
0xe: {  	[smem:$0x3FB4] =	sst s6  }
0xf: {  	[smem:$0x3FB5] =	sst s7  }
0x10: {  	[smem:$0x3FB6] =	sst s8  }
0x11: {  	[smem:$0x3FB7] =	sst s9;
	s0 =	simm.s32 @!p0 $0x0  }
0x12: {  	s1 =	sld [smem:$0x3F9D];
	s0 =	simm.s32 @p0 $0x1  }
0x13: {  	[smem:$0x3FB8] =	sst s0;
	s0 =	simm.s32 @!p1 $0x0  }
0x14: {  	s2 =	sld [smem:$0x3F9C];
	s0 =	simm.s32 @p1 $0x1  }
0x15: {  	[smem:$0x3FB9] =	sst s0;
	s0 =	simm.s32 @!p2 $0x0  }
0x16: {  	s3 =	sld [smem:$0x3FDB];
	s0 =	simm.s32 @p2 $0x1  }
0x17: {  	s4 =	simm.s32 $0x1BF5;
	[smem:$0x3FBB] =	sst s0  }
0x18: {  	s0 =	sld [smem:$0x3F9E];
	_ =	swait.ge [sflag:s4], $0x0  }
0x19: {  	s7 =	sld [smem:$0x3F9F]  }
0x1a: {  	s8 =	sadd.s32 $0xFFFFE003, lr  }
0x1b: {  	s9 =	sadd.s32 $0xFFFFFEF7, lr;
	s5 =	simm.s32 $0xFFFFFFFF;
	p2 =	slt.u32 s8, $0xFFFFF086  }
0x1c: {  	p1 =	slt.u32 s9, $0xF7A;
	s5 =	simm.s32 @!p2 $0x0  }
0x1d: {  	s5 =	simm.s32 @p1 $0x1;
	p0 =	seq.s32 s7, s2  }
0x1e: {  	s7 =	smul.u32 @!p0 $0xF7A, s2;
	p2 =	seq.s32 @!p0 s5, $0x0  }
0x1f: {  	s9 =	smul.u32 $0xF7A, s1;
	s8 =	simm.s32 @!p0 $0x1BF5;
	p2 =	por !p2, p0  }
0x20: {  	[sflag:s8] =	ssyncset.s32 @!p0 $0xFFFFF086;
	s6 =	sadd.s32 @!p0 s3, s7;
	s7 =	simm.s32 @!p0 $0x108  }
0x21: {  	s3 =	sadd.s32 s3, s9;
	s6 =	sadd.s32 @!p0 $0x88, s6;
	s7 =	simm.s32 @p2 $0x1082  }
0x22: {  	[simem:s7], [sflag:s8] =	dma.local @!p0 [hbm:s6], $0xF7A  }
0x23: {  	s9 =	sor.u32 $0xD0000000, s2;
	s6 =	simm.s32 $0x108;
	_ =	swait.ge @!p0 [sflag:s8], $0x0  }
0x24: {  	s3 =	sadd.s32 $0x88, s3;
	s6 =	simm.s32 @!p1 $0x1082;
	[sflag:s4] =	ssyncset.s32 $0xFFFFF086  }
0x25: {  	[simem:s6], [sflag:s4] =	dma.local [hbm:s3], $0xF7A  }
0x26: {  	[smem:$0x3F9F] =	sst s1;
	(tag) =	ssettag s2;
	_ =	strace s9  }
0x27: {  	s1 =	sld [smem:$0x3FAF]  }
0x28: {  	s2 =	sld [smem:$0x3FB0]  }
0x29: {  	s4 =	sld [smem:$0x3FB2]  }
0x2a: {  	p0 =	seq.s32 s5, $0x0;
	s5 =	sld [smem:$0x3FB3]  }
0x2b: {  	s6 =	sld [smem:$0x3FB4]  }
0x2c: {  	s7 =	sld [smem:$0x3FB5]  }
0x2d: {  	s3 =	simm.s32 $0x108;
	s8 =	sld [smem:$0x3FB6]  }
0x2e: {  	s3 =	simm.s32 @!p0 $0x1082;
	s9 =	sld [smem:$0x3FB7]  }
0x2f: {  	lr =	sadd.s32 s0, s3;
	s0 =	sld [smem:$0x3FAE]  }
0x30: {  	s3 =	sld [smem:$0x3FB1]  }
0x31: {  	[smem:$0x3FBA] =	sst s10  }
0x32: {  	s10 =	sld [smem:$0x3FB8];
	_ =	sdelay $0x3  }
0x33: {  	p0 =	seq.s32 s10, $0x1;
	s10 =	sld [smem:$0x3FBA];
	_ =	sdelay $0x3  }
0x34: {  	[smem:$0x3FBA] =	sst s10  }
0x35: {  	s10 =	sld [smem:$0x3FB9];
	_ =	sdelay $0x3  }
0x36: {  	p1 =	seq.s32 s10, $0x1;
	s10 =	sld [smem:$0x3FBA];
	_ =	sdelay $0x3  }
0x37: {  	[smem:$0x3FBA] =	sst s10  }
0x38: {  	s10 =	sld [smem:$0x3FBB]  }
0x39: {  	_ = 	snop;
	(pc) =	sbr.ind lr, $3  }
0x3a: {  	_ = 	snop  }
0x3b: {  	_ = 	snop  }
0x3c: {  	p2 =	seq.s32 s10, $0x1;
	s10 =	sld [smem:$0x3FBA]  }
0x3d: {  	_ =	shalt  }
0x3e: {  	_ =	shalt  }
0x3f: {  	_ =	shalt  }
0x40: {  	_ =	shalt  }
0x41: {  	_ =	shalt  }
0x42: {  	_ =	shalt  }
0x43: {  	_ =	shalt  }
0x44: {  	_ =	shalt  }
0x45: {  	_ =	shalt  }
0x46: {  	_ =	shalt  }
0x47: {  	_ =	shalt  }
0x48: {  	_ =	shalt  }
0x49: {  	_ =	shalt  }
0x4a: {  	_ =	shalt  }
0x4b: {  	_ =	shalt  }
0x4c: {  	_ =	shalt  }
0x4d: {  	_ =	shalt  }
0x4e: {  	_ =	shalt  }
0x4f: {  	_ =	shalt  }
0x50: {  	_ =	shalt  }
0x51: {  	_ =	shalt  }
0x52: {  	_ =	shalt  }
0x53: {  	_ =	shalt  }
0x54: {  	_ =	shalt  }
0x55: {  	_ =	shalt  }
0x56: {  	_ =	shalt  }
0x57: {  	_ =	shalt  }
0x58: {  	_ =	shalt  }
0x59: {  	_ =	shalt  }
0x5a: {  	_ =	shalt  }
0x5b: {  	_ =	shalt  }
0x5c: {  	_ =	shalt  }
0x5d: {  	_ =	shalt  }
0x5e: {  	_ =	shalt  }
0x5f: {  	_ =	shalt  }
0x60: {  	_ =	shalt  }
0x61: {  	_ =	shalt  }
0x62: {  	_ =	shalt  }
0x63: {  	_ =	shalt  }
0x64: {  	_ =	shalt  }
0x65: {  	_ =	shalt  }
0x66: {  	_ =	shalt  }
0x67: {  	_ =	shalt  }
0x68: {  	_ =	shalt  }
0x69: {  	_ =	shalt  }
0x6a: {  	_ =	shalt  }
0x6b: {  	_ =	shalt  }
0x6c: {  	_ =	shalt  }
0x6d: {  	_ =	shalt  }
0x6e: {  	_ =	shalt  }
0x6f: {  	_ =	shalt  }
0x70: {  	_ =	shalt  }
0x71: {  	_ =	shalt  }
0x72: {  	_ =	shalt  }
0x73: {  	_ =	shalt  }
0x74: {  	_ =	shalt  }
0x75: {  	_ =	shalt  }
0x76: {  	_ =	shalt  }
0x77: {  	_ =	shalt  }
0x78: {  	_ =	shalt  }
0x79: {  	_ =	shalt  }
0x7a: {  	_ =	shalt  }
0x7b: {  	_ =	shalt  }
0x7c: {  	_ =	shalt  }
0x7d: {  	_ =	shalt  }
0x7e: {  	_ =	shalt  }
0x7f: {  	_ =	shalt  }
0x80: {  	_ =	shalt  }
0x81: {  	_ =	shalt  }
0x82: {  	_ =	shalt  }
0x83: {  	_ =	shalt  }
0x84: {  	_ =	shalt  }
0x85: {  	_ =	shalt  }
0x86: {  	_ =	shalt  }
0x87: {  	_ =	shalt  }
.Lfunc_end0:
.L_simem_size_0:
called_computation_lowered:
.L_overlay_start_0:
0x88: {  	s2 =	sld [smem:$0x3FD9]  }
0x89: {  	s3 =	sld [smem:$0x3FFE];
	_ =	sdelay $0x1  }
0x8a: {  	s1 =	srdreg.scid  }
0x8b: {  	s0 =	sand.u32 $0x1, s1  }
0x8c: {  	s17 =	sshll.u32 s0, $0xA;
	s2 =	sadd.s32 s3, s2  }
0x8d: {  	s2 =	sadd.s32 s2, s17  }
0x8e: {  	[smem:$0x3FC6] =	sst s2  }
0x8f: {  	_ = 	snop  }
0x90: {  	s2 =	sld [smem:$0x3FC9]  }
0x91: {  	s18 =	sld [smem:$0x3FC8];
	(tm) =	ssettm $0x1  }
0x92: {  	s4 =	sld [smem:$0x3FFB];
	_ =	sdelay $0x3  }
0x93: {  	_ =	strace s4  }
0x94: {  	s4 =	sld [smem:$0x3FFC];
	_ =	sdelay $0x3  }
0x95: {  	_ =	strace s4  }
0x96: {  	s4 =	sld [smem:$0x3FFD];
	_ =	sdelay $0x3  }
0x97: {  	_ =	strace s4  }
0x98: {  	_ =	strace $0x8FFFFFFF  }
0x99: {  	s19 =	sld [smem:$0x3FDB];
	_ =	sdelay $0x1  }
0x9a: {  	s5 =	simm.s32 $_scs_section_size  }
0x9b: {  	s6 =	simm.s32 $_size__tile_overlayer_lowered;
	s7 =	simm.s32 $_tile_overlayer_lowered  }
0x9c: {  	s22 =	simm.s32 $0x1BFF;
	s21 =	sshll.u32 s7, $0x1;
	s4 =	sadd.s32 s5, s19  }
0x9d: {  	s8 =	simm.s32 $0x0;
	s20 =	sshll.u32 s6, $0x1;
	s6 =	sadd.s32 s21, s4  }
0x9e: {  	[timem:s8], [sflag:s22] =	dma.local [hbm:s6], s20  }
0x9f: {  	_ =	swait.ge [sflag:s22], s20  }
0xa0: {  	s5 =	ssub.s32 $0x0, s20;
	[sflag:s22] =	ssyncset.done $0x0  }
0xa1: {  	[sflag:s22] =	ssyncadd.s32 s5;
	_ =	sdelay $0x1  }
0xa2: {  	s23 =	simm.s32 $0x1B8B  }
0xa3: {  	_ =	swait.ge [sflag:s23], $0x1  }
0xa4: {  	[sflag:s23] =	ssyncset.done $0x0  }
0xa5: {  	s25 =	simm.s32 $0x1B8E;
	s24 =	sld [smem:$0x3FFE];
	[sflag:s23] =	ssyncadd.s32 $0xFFFFFFFF  }
0xa6: {  	s26 =	simm.s32 $execute0_lowered;
	[smem:$0x3FD2] =	sst s25  }
0xa7: {  	s6 =	sshll.u32 s26, $0x1;
	_ =	strace $0x80000046;
	[dreg:$0x1] =	wrdreg $0xFFFFFFFF  }
0xa8: {  	s28 =	simm.s32 $_size_execute0_lowered;
	s4 =	sadd.s32 s4, s6;
	[dreg:$0x0] =	wrdreg $0x0  }
0xa9: {  	s6 =	sshll.u32 s28, $0x1;
	[dreg:$0x2] =	wrdreg s4  }
0xaa: {  	[dreg:$0x3] =	wrdreg s6  }
0xab: {  	[dreg:$0x4] =	wrdreg $0xC0  }
0xac: {  	_ =	task [dreg:s8], $0x5FFFF  }
0xad: {  	[dreg:$0x1] =	wrdreg $0xFFFFFFFF  }
0xae: {  	[dreg:$0x0] =	wrdreg $0x60  }
0xaf: {  	[dreg:$0x2] =	wrdreg s2  }
0xb0: {  	[dreg:$0x3] =	wrdreg s18  }
0xb1: {  	[dreg:$0x4] =	wrdreg s24  }
0xb2: {  	[dreg:$0x5] =	wrdreg $0x9  }
0xb3: {  	_ =	task.clear_ibuf [dreg:s8], $0x6FFFF;
	_ =	strace $0x90000046  }
0xb4: {  	s29 =	simm.s32 $0x9;
	_ =	strace $0x80000048  }
0xb5: {  	_ =	swait.ge [sflag:s29], $0x1  }
0xb6: {  	[sflag:s29] =	ssyncadd.s32 $0xFFFFFFFF  }
0xb7: {  	_ =	strace $0x90000048  }
0xb8: {  	_ =	sfence  }
0xb9: {  	s30 =	sld [smem:$0x0];
	_ =	sdelay $0x2  }
0xba: {  	s31 =	sshll.u32 s1, $0xD;
	s1 =	sshrl.u32 s1, $0x2  }
0xbb: {  	s3 =	sand.u32 $0x4000, s31;
	s1 =	sadd.s32 s1, s30  }
0xbc: {  	s0 =	sor.u32 s3, s0;
	s1 =	sshll.u32 s1, $0x11  }
0xbd: {  	s0 =	sor.u32 s1, s0  }
0xbe: {  	s0 =	sadd.s32 $0x8F2B, s0  }
0xbf: {  	[sflag:s0] =	ssyncadd.remote.s32 $0x1  }
0xc0: {  	_ =	sfence.sel $0xFFFF  }
0xc1: {  	[dreg:$0x0] =	wrdreg $0xFFFFFFFF;
	(pc) =	sbr.abs _section_cstart, $3  }
0xc2: {  	[dreg:$0x1] =	wrdreg $0xFFFFFFFF  }
0xc3: {  	_ =	task.clear_ibuf [dreg:s8], $0x2FFFF;
	_ =	strace $0x9FFFFFFF  }
0xc4: {  	(tm) =	ssettm $0x7FFFFFFF  }
0xc5: {  	_ =	shalt  }
tec
execute0_lowered:
.L_overlay_start_1:
0x0: {  	(tag) =	ssettag $0x1  }
0x1: {  	s0 =	rddreg [dreg:$0x0]  }
0x2: {  	s4 =	rddreg [dreg:$0x1]  }
0x3: {  	s1 =	srdreg.scid;
	s3 =	rddreg [dreg:$0x2]  }
0x4: {  	s2 =	simm.s32 $0x0;
	[dreg:$0x4] =	wrdreg s0;
	s0 =	stileid.u32  }
0x5: {  	s15 =	sand.u32 $0x1, s1;
	[smem:$0x7FF] =	sst s2;
	s5 =	sshll.u32 s0, $0x1  }
0x6: {  	s1 =	rddreg [dreg:$0x3];
	_ =	strace $0x80000047;
	s19 =	sor.u32 s15, s5  }
0x7: {  	s6 =	rddreg [dreg:$0x4];
	s5 =	sshll.u32 s19, $0x4;
	s23 =	smul.u32 $0x7, s19  }
0x8: {  	v1 =	vlaneseq.u32;
	[tilespmem:s2], [sflag:$0x2] =	stream.linear.gather [hbm4b:s6+s2], $0x100, $0x38;
	[tilespmem:$0xE180] =	vst v63  }
0x9: {  	s24 =	simm.s32 $0xE100;
	s3 =	sadd.s32 s5, s3;
	v0 =	vadd.s32 s23, v1  }
0xa: {  	[dreg:$0x6] =	wrdreg s24;
	s3 =	sadd.s32 $0x600, s3;
	v0 =	vmin.u32 v0, $0xC7  }
0xb: {  	[dreg:$0x5] =	wrdreg s3;
	s3 =	simm.s32 $0x2  }
0xc: {  	_ =	swait.ge [sflag:s3], $0x100  }
0xd: {  	[sflag:s3] =	ssyncset.done $0x0  }
0xe: {  	[sflag:s3] =	ssyncadd.s32 $0xFFFFFF00  }
0xf: {  	v2 =	vld.idx.msk [tilespmem:v0+s2+$0x0], $0xffff;
	_ =	sdelay $0x4  }
0x10: {  	(v2sf) =	vpush v2, $0x2  }
0x11: {  	(v2sf) =	vpush v2, $0x0  }
0x12: {  	(v2sf) =	vpush v2, $0x1  }
0x13: {  	(v2sf) =	vpush v2, $0x4;
	_ =	sdelay $0x1  }
0x14: {  	(v2sf) =	vpush v2, $0x3;
	_ =	sdelay $0x3  }
0x15: {  	(v2sf) =	vpush v2, $0x5;
	_ =	sdelay $0x1  }
0x16: {  	(v2sf) =	vpush v2, $0x6;
	_ =	sdelay $0x2  }
0x17: {  	s11 =	simm.s32 $0x400  }
0x18: {  	s12 =	simm.s32 $0x7A1400;
	s13 =	simm.s32 $0x100;
	s17 =	spop (v2sf)  }
0x19: {  	s10 =	simm.s32 $0x2100;
	s8 =	simm.s32 $0x4100;
	s20 =	spop (v2sf)  }
0x1a: {  	s5 =	simm.s32 $0x6100;
	s25 =	sand.u32 $0xFFFFF80, s20;
	s21 =	spop (v2sf)  }
0x1b: {  	s6 =	sadd.s32 s4, s25;
	s7 =	sand.u32 $0xFFFFF80, s21;
	s23 =	spop (v2sf)  }
0x1c: {  	[tilespmem:s13], [sflag:$0x1] =	stream.strided.gather [hbm4b:s6+s11], $0x2000, s12, s11, $0x38;
	[tilespmem:$0xE180] =	vst v63  }
0x1d: {  	s9 =	sand.u32 $0xFFFFF80, s17;
	s24 =	spop (v2sf);
	s26 =	sadd.s32 s4, s7  }
0x1e: {  	[tilespmem:s10], [sflag:$0x1] =	stream.strided.gather [hbm4b:s26+s11], $0x2000, s12, s11, $0x38;
	[tilespmem:$0xE180] =	vst v63  }
0x1f: {  	s9 =	sadd.s32 s4, s9;
	s6 =	simm.s32 $0x8100;
	s28 =	sand.u32 $0xFFFFF80, s24  }
0x20: {  	[tilespmem:s8], [sflag:$0x1] =	stream.strided.gather [hbm4b:s9+s11], $0x2000, s12, s11, $0x38;
	[tilespmem:$0xE180] =	vst v63  }
0x21: {  	s29 =	sand.u32 $0xFFFFF80, s23;
	s22 =	spop (v2sf);
	s7 =	sadd.s32 s4, s28  }
0x22: {  	[tilespmem:s5], [sflag:$0x1] =	stream.strided.gather [hbm4b:s7+s11], $0x2000, s12, s11, $0x38;
	[tilespmem:$0xE180] =	vst v63  }
0x23: {  	s30 =	sand.u32 $0xFFFFF80, s22;
	s16 =	spop (v2sf);
	s9 =	sadd.s32 s4, s29  }
0x24: {  	[tilespmem:s6], [sflag:$0x1] =	stream.strided.gather [hbm4b:s9+s11], $0x2000, s12, s11, $0x38;
	[tilespmem:$0xE180] =	vst v63  }
0x25: {  	s18 =	sand.u32 $0xFFFFF80, s16;
	s7 =	sadd.s32 s4, s30;
	s9 =	simm.s32 $0xA100  }
0x26: {  	[tilespmem:s9], [sflag:$0x1] =	stream.strided.gather [hbm4b:s7+s11], $0x2000, s12, s11, $0x38;
	[tilespmem:$0xE180] =	vst v63  }
0x27: {  	s14 =	simm.s32 $0x1;
	s18 =	sadd.s32 s4, s18;
	s7 =	simm.s32 $0xC100  }
0x28: {  	[tilespmem:s7], [sflag:$0x1] =	stream.strided.gather [hbm4b:s18+s11], $0x2000, s12, s11, $0x38;
	[tilespmem:$0xE180] =	vst v63  }
0x29: {  	_ =	swait.ge [sflag:s14], $0x2000  }
0x2a: {  	[sflag:s14] =	ssyncset.done $0x0  }
0x2b: {  	[sflag:s14] =	ssyncadd.s32 $0xFFFFE000  }
0x2c: {  	_ =	swait.ge [sflag:s14], $0x2000  }
0x2d: {  	[sflag:s14] =	ssyncset.done $0x0  }
0x2e: {  	[sflag:s14] =	ssyncadd.s32 $0xFFFFE000  }
0x2f: {  	_ =	swait.ge [sflag:s14], $0x2000  }
0x30: {  	[sflag:s14] =	ssyncset.done $0x0  }
0x31: {  	[sflag:s14] =	ssyncadd.s32 $0xFFFFE000  }
0x32: {  	_ =	swait.ge [sflag:s14], $0x2000  }
0x33: {  	[sflag:s14] =	ssyncset.done $0x0  }
0x34: {  	[sflag:s14] =	ssyncadd.s32 $0xFFFFE000  }
0x35: {  	_ =	swait.ge [sflag:s14], $0x2000  }
0x36: {  	[sflag:s14] =	ssyncset.done $0x0  }
0x37: {  	v5 =	vmul.u32 $0x80, v1;
	[sflag:s14] =	ssyncadd.s32 $0xFFFFE000  }
0x38: {  	s16 =	sand.u32 $0x7F, s16;
	_ =	swait.ge [sflag:s14], $0x2000  }
0x39: {  	v3 =	vor.u32 $0x800, v5;
	v2 =	vor.u32 s16, v5;
	s18 =	sand.u32 $0x7F, s17;
	[sflag:s14] =	ssyncset.done $0x0  }
0x3a: {  	v1 =	vor.u32 $0x1800, v5;
	s25 =	sand.u32 $0x7F, s20;
	v4 =	vor.u32 s18, v3;
	[sflag:s14] =	ssyncadd.s32 $0xFFFFE000  }
0x3b: {  	v6 =	vor.u32 $0x1000, v5;
	v7 =	vor.u32 s25, v1;
	s17 =	sand.u32 $0x7F, s23;
	_ =	swait.ge [sflag:s14], $0x2000  }
0x3c: {  	s21 =	sand.u32 $0x7F, s21;
	v9 =	vor.u32 s17, v6;
	[sflag:s14] =	ssyncset.done $0x0  }
0x3d: {  	v10 =	vor.u32 s21, v6;
	[sflag:s14] =	ssyncadd.s32 $0xFFFFE000  }
0x3e: {  	s15 =	ssub.s32 $0x2, s15;
	v13 =	vor.u32 s25, v3;
	v8 =	vld.idx.msk [tilespmem:v2+s7+$0x0], $0xffff  }
0x3f: {  	s31 =	sshrl.u32 s15, $0x1;
	v15 =	vor.u32 s25, v5;
	v12 =	vld.idx.msk [tilespmem:v4+s8+$0x0], $0xffff  }
0x40: {  	p0 =	slt.u32 s19, $0x1D;
	s19 =	simm.f32 $1.000000000e+00;
	s20 =	sand.u32 $0x7F, s24;
	v2 =	vor.u32 s25, v6;
	v14 =	vld.idx.msk [tilespmem:v7+s13+$0x0], $0xffff  }
0x41: {  	s19 =	simm.s32 @!p0 $0x0;
	s15 =	ssub.s32 s15, s31;
	v7 =	vor.u32 s20, v6;
	v11 =	vld.idx.msk [tilespmem:v9+s6+$0x0], $0xffff  }
0x42: {  	p0 =	slt.u32 s0, $0xE;
	s15 =	smax.u32 s15, $0x1;
	s24 =	simm.f32 $1.000000000e+00;
	v16 =	vor.u32 s18, v6;
	v19 =	vld.idx.msk [tilespmem:v10+s10+$0x0], $0xffff  }
0x43: {  	v24 =	vor.u32 s21, v5;
	s24 =	simm.s32 @!p0 $0x0;
	p0 =	sne.s32 s15, $0x1;
	v9 =	vld.idx.msk [tilespmem:v13+s13+$0x0], $0xffff  }
.Ltmp0:
0x44: {  	v18 =	vld.idx.msk [tilespmem:v15+s13+$0x0], $0xffff;
	(pc) =	sbr.rel @!p0 .LBB2_2-.Ltmp0, $4  }
0x45: {  	v21 =	vor.u32 s21, v1;
	v17 =	vld.idx.msk [tilespmem:v2+s13+$0x0], $0xffff  }
0x46: {  	v20 =	vor.u32 s20, v5;
	v22 =	vor.u32 s18, v5;
	v4 =	vmov s19;
	s19 =	sand.u32 $0x7F, s22;
	v13 =	vld.idx.msk [tilespmem:v7+s5+$0x0], $0xffff  }
0x47: {  	v23 =	vor.u32 s19, v5;
	v2 =	vmov s24;
	v10 =	vmul.f32 v14, v4;
	v14 =	vld.idx.msk [tilespmem:v16+s8+$0x0], $0xffff  }
0x48: {  	s15 =	sadd.s32 $0xFFFFFFFF, s15;
	v7 =	vor.u32 s17, v5;
	v16 =	vld.idx.msk [tilespmem:v24+s10+$0x0], $0xffff;
	v15 =	vmul.f32 v19, v4;
	v19 =	vor.u32 s19, v6  }
.LBB2_1:
0x49: {  	_ =	sdelay $0x1  }
0x4a: {  	v24 =	vor.u32 s18, v1  }
0x4b: {  	v23 =	vld.idx.msk [tilespmem:v23+s9+$0x0], $0xffff;
	v25 =	vor.u32 s21, v3;
	v26 =	vor.u32 s17, v3;
	v27 =	vor.u32 s16, v3  }
0x4c: {  	v22 =	vld.idx.msk [tilespmem:v22+s8+$0x0], $0xffff;
	v28 =	vor.u32 s16, v6;
	v29 =	vor.u32 s20, v3;
	v17 =	vmul.f32 v17, v4  }
0x4d: {  	v21 =	vld.idx.msk [tilespmem:v21+s10+$0x0], $0xffff;
	v30 =	vor.u32 s20, v1;
	v60 =	vor.u32 s17, v1;
	v18 =	vmul.f32 v18, v4  }
0x4e: {  	v20 =	vld.idx.msk [tilespmem:v20+s5+$0x0], $0xffff;
	v31 =	vor.u32 s19, v3;
	v61 =	vor.u32 s19, v1;
	v17 =	vadd.f32 $0.0e+00, v17  }
0x4f: {  	v19 =	vld.idx.msk [tilespmem:v19+s9+$0x0], $0xffff;
	v62 =	vor.u32 s16, v1;
	v16 =	vmul.f32 v16, v4;
	v18 =	vadd.f32 $0.0e+00, v18  }
0x50: {  	v7 =	vld.idx.msk [tilespmem:v7+s6+$0x0], $0xffff;
	v10 =	vadd.f32 $0.0e+00, v10;
	v14 =	vmul.f32 v14, v4;
	v15 =	vadd.f32 v15, v17  }
0x51: {  	v12 =	vmul.f32 v12, v4;
	v17 =	vld.idx.msk [tilespmem:v25+s10+$0x0], $0xffff;
	v16 =	vadd.f32 v16, v18;
	v18 =	vmul.f32 v22, v4  }
0x52: {  	v11 =	vmul.f32 v11, v2;
	v13 =	vmul.f32 v13, v4;
	v22 =	vld.idx.msk [tilespmem:v24+s8+$0x0], $0xffff;
	v14 =	vadd.f32 v14, v15  }
0x53: {  	v8 =	vmul.f32 v8, v2;
	v15 =	vld.idx.msk [tilespmem:v28+s7+$0x0], $0xffff;
	v16 =	vadd.f32 v18, v16;
	v18 =	vmul.f32 v20, v4  }
0x54: {  	v9 =	vmul.f32 v9, v4;
	v21 =	vmul.f32 v21, v4;
	v13 =	vadd.f32 v13, v14;
	v14 =	vld.idx.msk [tilespmem:v30+s5+$0x0], $0xffff  }
0x55: {  	v23 =	vmul.f32 v23, v2;
	v7 =	vmul.f32 v7, v2;
	v20 =	vld.idx.msk [tilespmem:v29+s5+$0x0], $0xffff;
	v16 =	vadd.f32 v18, v16  }
0x56: {  	v9 =	vadd.f32 $0.0e+00, v9;
	v17 =	vmul.f32 v17, v4;
	v11 =	vadd.f32 v11, v13;
	v13 =	vld.idx.msk [tilespmem:v60+s6+$0x0], $0xffff  }
0x57: {  	v19 =	vmul.f32 v19, v2;
	v10 =	vadd.f32 v21, v10;
	v18 =	vld.idx.msk [tilespmem:v26+s6+$0x0], $0xffff;
	v7 =	vadd.f32 v7, v16  }
0x58: {  	v15 =	vmul.f32 v15, v2;
	v9 =	vadd.f32 v17, v9;
	v17 =	vmul.f32 v22, v4  }
0x59: {  	v11 =	vadd.f32 v19, v11;
	v19 =	vld.idx.msk [tilespmem:v31+s9+$0x0], $0xffff;
	v7 =	vadd.f32 v23, v7;
	v14 =	vmul.f32 v14, v4  }
0x5a: {  	v16 =	vld.idx.msk [tilespmem:v61+s9+$0x0], $0xffff;
	v9 =	vadd.f32 v12, v9;
	v10 =	vadd.f32 v17, v10;
	v12 =	vmul.f32 v20, v4  }
0x5b: {  	v17 =	vld.idx.msk [tilespmem:v27+s7+$0x0], $0xffff;
	v11 =	vadd.f32 v15, v11;
	v7 =	vadd.f32 v8, v7;
	v13 =	vmul.f32 v13, v2  }
0x5c: {  	v15 =	vld.idx.msk [tilespmem:v62+s7+$0x0], $0xffff;
	v8 =	vadd.f32 v12, v9;
	v9 =	vadd.f32 v14, v10;
	v10 =	vmul.f32 v18, v2;
	_ =	sdelay $0x1  }
0x5d: {  	[tilespmem:$0xE100] =	vst v7;
	v7 =	vadd.f32 v10, v8;
	v8 =	vadd.f32 v13, v9;
	v9 =	vmul.f32 v19, v2  }
0x5e: {  	[tilespmem:$0xE120] =	vst v11;
	v11 =	vmul.f32 v16, v2  }
0x5f: {  	v7 =	vadd.f32 v9, v7;
	v9 =	vmul.f32 v17, v2  }
0x60: {  	v10 =	vmul.f32 v15, v2;
	v8 =	vadd.f32 v11, v8  }
0x61: {  	v7 =	vadd.f32 v9, v7  }
0x62: {  	v8 =	vadd.f32 v10, v8  }
0x63: {  	s22 =	rddreg [dreg:$0x6];
	[tilespmem:$0xE110] =	vst v7  }
0x64: {  	s23 =	rddreg [dreg:$0x5];
	[tilespmem:$0xE130] =	vst v8  }
0x65: {  	[hbm4b:s23+s2] =	stream.linear.scatter [tilespmem:s22], [sflag:$0x2], $0x80, $0x38;
	[tilespmem:$0xE180] =	vst v63  }
0x66: {  	_ =	swait.ge [sflag:s3], $0x80  }
0x67: {  	[sflag:s3] =	ssyncset.done $0x0  }
0x68: {  	s24 =	rddreg [dreg:$0x4];
	[sflag:s3] =	ssyncadd.s32 $0xFFFFFF80  }
0x69: {  	[tilespmem:s2], [sflag:$0x2] =	stream.linear.gather [hbm4b:s24+s2], $0x100, $0x38;
	[tilespmem:$0xE180] =	vst v63  }
0x6a: {  	_ =	swait.ge [sflag:s3], $0x100  }
0x6b: {  	[sflag:s3] =	ssyncset.done $0x0  }
0x6c: {  	[sflag:s3] =	ssyncadd.s32 $0xFFFFFF00  }
0x6d: {  	v7 =	vld.idx.msk [tilespmem:v0+s2+$0x0], $0xffff;
	_ =	sdelay $0x4  }
0x6e: {  	(v2sf) =	vpush v7, $0x2  }
0x6f: {  	(v2sf) =	vpush v7, $0x0  }
0x70: {  	(v2sf) =	vpush v7, $0x1  }
0x71: {  	(v2sf) =	vpush v7, $0x4;
	_ =	sdelay $0x1  }
0x72: {  	(v2sf) =	vpush v7, $0x3;
	_ =	sdelay $0x3  }
0x73: {  	(v2sf) =	vpush v7, $0x5;
	_ =	sdelay $0x1  }
0x74: {  	(v2sf) =	vpush v7, $0x6;
	_ =	sdelay $0x3  }
0x75: {  	s25 =	spop (v2sf)  }
0x76: {  	s26 =	spop (v2sf)  }
0x77: {  	s18 =	sand.u32 $0x7F, s25;
	s28 =	sand.u32 $0xFFFFF80, s26;
	s20 =	spop (v2sf)  }
0x78: {  	s29 =	sadd.s32 s4, s28;
	s30 =	sand.u32 $0xFFFFF80, s20;
	s31 =	spop (v2sf)  }
0x79: {  	[tilespmem:s13], [sflag:$0x1] =	stream.strided.gather [hbm4b:s29+s11], $0x2000, s12, s11, $0x38;
	[tilespmem:$0xE180] =	vst v63  }
0x7a: {  	s16 =	sand.u32 $0xFFFFF80, s25;
	s24 =	spop (v2sf);
	s28 =	sadd.s32 s4, s30  }
0x7b: {  	[tilespmem:s10], [sflag:$0x1] =	stream.strided.gather [hbm4b:s28+s11], $0x2000, s12, s11, $0x38;
	[tilespmem:$0xE180] =	vst v63  }
0x7c: {  	s22 =	sand.u32 $0x7F, s26;
	s16 =	sadd.s32 s4, s16;
	s29 =	sand.u32 $0xFFFFF80, s24  }
0x7d: {  	[tilespmem:s8], [sflag:$0x1] =	stream.strided.gather [hbm4b:s16+s11], $0x2000, s12, s11, $0x38;
	[tilespmem:$0xE180] =	vst v63  }
0x7e: {  	s23 =	sand.u32 $0xFFFFF80, s31;
	s25 =	spop (v2sf);
	s19 =	sadd.s32 s4, s29  }
0x7f: {  	[tilespmem:s5], [sflag:$0x1] =	stream.strided.gather [hbm4b:s19+s11], $0x2000, s12, s11, $0x38;
	[tilespmem:$0xE180] =	vst v63  }
0x80: {  	s23 =	sadd.s32 s4, s23;
	s26 =	sand.u32 $0xFFFFF80, s25;
	s30 =	spop (v2sf)  }
0x81: {  	[tilespmem:s6], [sflag:$0x1] =	stream.strided.gather [hbm4b:s23+s11], $0x2000, s12, s11, $0x38;
	[tilespmem:$0xE180] =	vst v63  }
0x82: {  	s26 =	sadd.s32 s4, s26;
	s28 =	sand.u32 $0xFFFFF80, s30  }
0x83: {  	[tilespmem:s9], [sflag:$0x1] =	stream.strided.gather [hbm4b:s26+s11], $0x2000, s12, s11, $0x38;
	[tilespmem:$0xE180] =	vst v63  }
0x84: {  	s17 =	sand.u32 $0x7F, s31;
	s31 =	sadd.s32 s4, s28  }
0x85: {  	[tilespmem:s7], [sflag:$0x1] =	stream.strided.gather [hbm4b:s31+s11], $0x2000, s12, s11, $0x38;
	[tilespmem:$0xE180] =	vst v63  }
0x86: {  	_ =	swait.ge [sflag:s14], $0x2000  }
0x87: {  	[sflag:s14] =	ssyncset.done $0x0  }
0x88: {  	[sflag:s14] =	ssyncadd.s32 $0xFFFFE000  }
0x89: {  	_ =	swait.ge [sflag:s14], $0x2000  }
0x8a: {  	[sflag:s14] =	ssyncset.done $0x0  }
0x8b: {  	[sflag:s14] =	ssyncadd.s32 $0xFFFFE000  }
0x8c: {  	_ =	swait.ge [sflag:s14], $0x2000  }
0x8d: {  	[sflag:s14] =	ssyncset.done $0x0  }
0x8e: {  	[sflag:s14] =	ssyncadd.s32 $0xFFFFE000  }
0x8f: {  	_ =	swait.ge [sflag:s14], $0x2000  }
0x90: {  	[sflag:s14] =	ssyncset.done $0x0  }
0x91: {  	[sflag:s14] =	ssyncadd.s32 $0xFFFFE000  }
0x92: {  	_ =	swait.ge [sflag:s14], $0x2000  }
0x93: {  	[sflag:s14] =	ssyncset.done $0x0  }
0x94: {  	[sflag:s14] =	ssyncadd.s32 $0xFFFFE000  }
0x95: {  	s16 =	sand.u32 $0x7F, s30;
	_ =	swait.ge [sflag:s14], $0x2000  }
0x96: {  	v8 =	vor.u32 s16, v5;
	[sflag:s14] =	ssyncset.done $0x0  }
0x97: {  	v9 =	vor.u32 s18, v3;
	[sflag:s14] =	ssyncadd.s32 $0xFFFFE000  }
0x98: {  	v10 =	vor.u32 s22, v1;
	_ =	swait.ge [sflag:s14], $0x2000  }
0x99: {  	s21 =	sand.u32 $0x7F, s20;
	v11 =	vor.u32 s17, v6;
	[sflag:s14] =	ssyncset.done $0x0  }
0x9a: {  	v13 =	vor.u32 s21, v6;
	[sflag:s14] =	ssyncadd.s32 $0xFFFFE000  }
0x9b: {  	v14 =	vor.u32 s22, v3;
	v8 =	vld.idx.msk [tilespmem:v8+s7+$0x0], $0xffff  }
0x9c: {  	v15 =	vor.u32 s22, v6;
	s20 =	sand.u32 $0x7F, s24;
	v12 =	vld.idx.msk [tilespmem:v9+s8+$0x0], $0xffff  }
0x9d: {  	v16 =	vor.u32 s20, v6;
	v10 =	vld.idx.msk [tilespmem:v10+s13+$0x0], $0xffff  }
0x9e: {  	v18 =	vor.u32 s22, v5;
	v11 =	vld.idx.msk [tilespmem:v11+s6+$0x0], $0xffff  }
0x9f: {  	v20 =	vor.u32 s18, v6;
	v19 =	vld.idx.msk [tilespmem:v13+s10+$0x0], $0xffff  }
0xa0: {  	p0 =	sne.s32 s15, $0x1;
	v63 =	vor.u32 s21, v5;
	v9 =	vld.idx.msk [tilespmem:v14+s13+$0x0], $0xffff  }
.Ltmp1:
0xa1: {  	v17 =	vld.idx.msk [tilespmem:v15+s13+$0x0], $0xffff;
	(pc) =	sbr.rel @p0 .LBB2_1-.Ltmp1, $4  }
0xa2: {  	v13 =	vld.idx.msk [tilespmem:v16+s5+$0x0], $0xffff  }
0xa3: {  	v22 =	vor.u32 s18, v5;
	v21 =	vor.u32 s21, v1;
	s19 =	sand.u32 $0x7F, s25;
	v18 =	vld.idx.msk [tilespmem:v18+s13+$0x0], $0xffff  }
0xa4: {  	v7 =	vor.u32 s17, v5;
	v23 =	vor.u32 s19, v5;
	v14 =	vld.idx.msk [tilespmem:v20+s8+$0x0], $0xffff;
	v20 =	vor.u32 s20, v5  }
0xa5: {  	s15 =	sadd.s32 $0xFFFFFFFF, s15;
	v16 =	vld.idx.msk [tilespmem:v63+s10+$0x0], $0xffff;
	v10 =	vmul.f32 v10, v4;
	v15 =	vmul.f32 v19, v4;
	v19 =	vor.u32 s19, v6  }
.LBB2_2:
0xa6: {  	_ =	sdelay $0x3  }
0xa7: {  	v0 =	vld.idx.msk [tilespmem:v23+s9+$0x0], $0xffff  }
0xa8: {  	v5 =	vor.u32 s21, v3;
	v12 =	vmul.f32 v12, v4;
	v43 =	vor.u32 s18, v1;
	v22 =	vld.idx.msk [tilespmem:v22+s8+$0x0], $0xffff  }
0xa9: {  	v11 =	vmul.f32 v11, v2;
	v21 =	vld.idx.msk [tilespmem:v21+s10+$0x0], $0xffff;
	v6 =	vor.u32 s16, v6;
	v24 =	vor.u32 s17, v3  }
0xaa: {  	v25 =	vor.u32 s16, v3;
	v20 =	vld.idx.msk [tilespmem:v20+s5+$0x0], $0xffff;
	v26 =	vor.u32 s20, v3;
	v27 =	vor.u32 s20, v1  }
0xab: {  	v19 =	vld.idx.msk [tilespmem:v19+s9+$0x0], $0xffff;
	v44 =	vor.u32 s17, v1;
	v45 =	vor.u32 s19, v3;
	v8 =	vmul.f32 v8, v2  }
0xac: {  	v7 =	vld.idx.msk [tilespmem:v7+s6+$0x0], $0xffff;
	v9 =	vmul.f32 v9, v4;
	v48 =	vor.u32 s19, v1;
	v17 =	vmul.f32 v17, v4  }
0xad: {  	v51 =	vor.u32 s16, v1;
	v10 =	vadd.f32 $0.0e+00, v10;
	v18 =	vmul.f32 v18, v4;
	v5 =	vld.idx.msk [tilespmem:v5+s10+$0x0], $0xffff  }
0xae: {  	v13 =	vmul.f32 v13, v4;
	v9 =	vadd.f32 $0.0e+00, v9;
	v17 =	vadd.f32 $0.0e+00, v17;
	v47 =	vld.idx.msk [tilespmem:v43+s8+$0x0], $0xffff  }
0xaf: {  	v14 =	vmul.f32 v14, v4;
	v18 =	vadd.f32 $0.0e+00, v18;
	v16 =	vmul.f32 v16, v4;
	v49 =	vld.idx.msk [tilespmem:v26+s5+$0x0], $0xffff  }
0xb0: {  	v15 =	vadd.f32 v15, v17;
	v46 =	vmul.f32 v22, v4;
	v21 =	vmul.f32 v21, v4;
	v50 =	vld.idx.msk [tilespmem:v27+s5+$0x0], $0xffff  }
0xb1: {  	v0 =	vmul.f32 v0, v2;
	v20 =	vmul.f32 v20, v4;
	v24 =	vld.idx.msk [tilespmem:v24+s6+$0x0], $0xffff;
	v16 =	vadd.f32 v16, v18  }
0xb2: {  	v52 =	vmul.f32 v19, v2;
	v17 =	vld.idx.msk [tilespmem:v44+s6+$0x0], $0xffff;
	v14 =	vadd.f32 v14, v15;
	v5 =	vmul.f32 v5, v4  }
0xb3: {  	v6 =	vld.idx.msk [tilespmem:v6+s7+$0x0], $0xffff;
	v10 =	vadd.f32 v21, v10;
	v16 =	vadd.f32 v46, v16;
	v15 =	vmul.f32 v47, v4  }
0xb4: {  	v7 =	vmul.f32 v7, v2;
	v54 =	vld.idx.msk [tilespmem:v48+s9+$0x0], $0xffff;
	v13 =	vadd.f32 v13, v14;
	v5 =	vadd.f32 v5, v9  }
0xb5: {  	v3 =	vld.idx.msk [tilespmem:v45+s9+$0x0], $0xffff;
	v53 =	vadd.f32 v20, v16;
	v56 =	vmul.f32 v50, v4;
	v10 =	vadd.f32 v15, v10  }
0xb6: {  	v1 =	vld.idx.msk [tilespmem:v51+s7+$0x0], $0xffff;
	v55 =	vmul.f32 v49, v4;
	v58 =	vmul.f32 v24, v2;
	v5 =	vadd.f32 v12, v5  }
0xb7: {  	v57 =	vld.idx.msk [tilespmem:v25+s7+$0x0], $0xffff;
	v59 =	vmul.f32 v17, v2;
	v11 =	vadd.f32 v11, v13;
	v4 =	vadd.f32 v56, v10  }
0xb8: {  	v6 =	vmul.f32 v6, v2;
	v7 =	vadd.f32 v7, v53;
	v5 =	vadd.f32 v55, v5  }
0xb9: {  	v60 =	vmul.f32 v54, v2;
	v11 =	vadd.f32 v52, v11;
	v4 =	vadd.f32 v59, v4  }
0xba: {  	v3 =	vmul.f32 v3, v2;
	v0 =	vadd.f32 v0, v7;
	v5 =	vadd.f32 v58, v5  }
0xbb: {  	v1 =	vmul.f32 v1, v2;
	v6 =	vadd.f32 v6, v11;
	v62 =	vadd.f32 v60, v4  }
0xbc: {  	v61 =	vmul.f32 v57, v2;
	v0 =	vadd.f32 v8, v0;
	v3 =	vadd.f32 v3, v5  }
0xbd: {  	[tilespmem:$0xE120] =	vst v6;
	v63 =	vadd.f32 v1, v62  }
0xbe: {  	[tilespmem:$0xE100] =	vst v0;
	v3 =	vadd.f32 v61, v3  }
0xbf: {  	s4 =	rddreg [dreg:$0x6];
	[tilespmem:$0xE130] =	vst v63  }
0xc0: {  	s31 =	rddreg [dreg:$0x5];
	[tilespmem:$0xE110] =	vst v3  }
0xc1: {  	[hbm4b:s31+s2] =	stream.linear.scatter [tilespmem:s4], [sflag:$0x2], $0x80, $0x38;
	[tilespmem:$0xE180] =	vst v63  }
0xc2: {  	_ =	swait.ge [sflag:s3], $0x80  }
0xc3: {  	[sflag:s3] =	ssyncset.done $0x0  }
0xc4: {  	[sflag:s3] =	ssyncadd.s32 $0xFFFFFF80  }
0xc5: {  	_ =	sfence.sel $0x180000  }
0xc6: {  	[bflag:$0x0] =	sbarrier.arrive $0xFFFF  }
0xc7: {  	p0 =	sne.s32 s0, $0x0;
	_ =	strace $0x90000047  }
0xc8: {  	s0 =	sadd.s32 @!p0 $0x100000, s1;
	[bflag:$0x2] =	sbarrier.arrive $0xFFFF  }
0xc9: {  	[sflag:s0] =	ssyncadd.tile.s32 @!p0 $0x1;
	_ =	shalt  }
.Lfunc_end2:
_tile_overlayer_lowered:
.L_overlay_start_2:
0xca: {  	(tag) =	ssettag $0x2  }
0xcb: {  	s0 =	rddreg [dreg:$0x0];
	s2 =	stileid.u32  }
0xcc: {  	s1 =	rddreg [dreg:$0x1];
	p0 =	sne.s32 s2, $0x0  }
0xcd: {  	s3 =	rddreg [dreg:$0x2];
	[bflag:$0x3] =	sbarrier.arrive $0xFFFF;
	s2 =	simm.s32 @!p0 $0x1C02  }
0xce: {  	[timem:s3], [sflag:s2] =	dma.local @!p0 [hbm:s0], s1  }
0xcf: {  	s0 =	simm.s32 @!p0 $0x2  }
0xd0: {  	_ =	swait.ge @!p0 [sflag:s0], s1  }
0xd1: {  	s1 =	ssub.s32 @!p0 $0x0, s1;
	[sflag:s0] =	ssyncset.done @!p0 $0x0  }
0xd2: {  	[sflag:s0] =	ssyncadd.s32 @!p0 s1  }
0xd3: {  	[bflag:$0x3] =	sbarrier.arrive $0xFFFF  }
0xd4: {  	_ =	shalt  }

</sc_bundles>
